<compile_context>
chip_gen: v7x
topology: tpu7x:2x2x1
jax: 0.10.2.dev20260603
libtpu: 0.0.44.dev20260713+nightly
codegen_flags: <defaults>
</compile_context>

<pallas_src>
import functools

import jax
import jax.numpy as jnp
from jax import lax
from jax.experimental import pallas as pl
from jax.experimental.pallas import tpu as pltpu
from jax.experimental.pallas import tpu_sc as plsc

N = 10000
E = 320000
C = 128
K = 9

NC = 2
NS = 16
NW = NC * NS
CH2 = C // NC
EPT = E // NS
G = 125
CH = EPT // G
NP = 10240
RPT = NP // NS

BN = 1000
NB = N // BN



def _mm_body(x_ref, w_ref, y_ref):
    xb = x_ref[...].astype(jnp.bfloat16)
    for k in range(K):
        y_ref[k] = jnp.dot(xb, w_ref[k].astype(jnp.bfloat16),
                           preferred_element_type=jnp.float32)


def _transform(h, W):
    return pl.pallas_call(
        _mm_body,
        grid=(NB,),
        in_specs=[
            pl.BlockSpec((BN, C), lambda n: (n, 0)),
            pl.BlockSpec((K, C, C), lambda n: (0, 0, 0)),
        ],
        out_specs=pl.BlockSpec((K, BN, C), lambda n: (0, n, 0)),
        out_shape=jax.ShapeDtypeStruct((K, N, C), jnp.float32),
    )(h, W)


def _ln(h, g, b):
    mu = jnp.mean(h, axis=-1, keepdims=True)
    var = jnp.mean((h - mu) ** 2, axis=-1, keepdims=True)
    return (h - mu) * lax.rsqrt(var + 1e-6) * g + b


def _mid_body(p_ref, g_ref, b_ref, w_ref, y_ref):
    h = jnp.concatenate([p_ref[0], p_ref[1]], axis=-1)
    h = jax.nn.gelu(_ln(h, g_ref[...], b_ref[...]))
    hb = h.astype(jnp.bfloat16)
    for k in range(K):
        y_ref[k] = jnp.dot(hb, w_ref[k].astype(jnp.bfloat16),
                           preferred_element_type=jnp.float32)


def _mid(parts, g, b, W):
    return pl.pallas_call(
        _mid_body,
        grid=(NB,),
        in_specs=[
            pl.BlockSpec((NC, BN, CH2), lambda n: (0, n, 0)),
            pl.BlockSpec((1, C), lambda n: (0, 0)),
            pl.BlockSpec((1, C), lambda n: (0, 0)),
            pl.BlockSpec((K, C, C), lambda n: (0, 0, 0)),
        ],
        out_specs=pl.BlockSpec((K, BN, C), lambda n: (0, n, 0)),
        out_shape=jax.ShapeDtypeStruct((K, N, C), jnp.float32),
    )(parts, g, b, W)


def _final_body(p_ref, g_ref, b_ref, x_ref, o_ref):
    h = jnp.concatenate([p_ref[0], p_ref[1]], axis=-1)
    h = _ln(h, g_ref[...], b_ref[...]) + x_ref[...]
    o_ref[...] = jax.nn.gelu(h)


def _final(parts, g, b, x):
    return pl.pallas_call(
        _final_body,
        grid=(NB,),
        in_specs=[
            pl.BlockSpec((NC, BN, CH2), lambda n: (0, n, 0)),
            pl.BlockSpec((1, C), lambda n: (0, 0)),
            pl.BlockSpec((1, C), lambda n: (0, 0)),
            pl.BlockSpec((BN, C), lambda n: (n, 0)),
        ],
        out_specs=pl.BlockSpec((BN, C), lambda n: (n, 0)),
        out_shape=jax.ShapeDtypeStruct((N, C), jnp.float32),
    )(parts, g, b, x)



@functools.cache
def _make_sc_conv():
    mesh = plsc.VectorSubcoreMesh(core_axis_name="c", subcore_axis_name="s")

    @functools.partial(
        pl.kernel,
        out_type=jax.ShapeDtypeStruct((NC, NP, CH2), jnp.float32),
        mesh=mesh,
        compiler_params=pltpu.CompilerParams(use_tc_tiling_on_sc=False),
        scratch_types=[
            pltpu.VMEM((2, CH, G), jnp.int32),
            pltpu.VMEM((G, CH2), jnp.float32),
            pltpu.VMEM((G, CH2), jnp.float32),
            pltpu.VMEM((G, CH2), jnp.float32),
            pltpu.VMEM((G, CH2), jnp.float32),
            pltpu.VMEM_SHARED((NP, CH2), jnp.float32),
            pltpu.SemaphoreType.DMA,
            pltpu.SemaphoreType.DMA,
            pltpu.SemaphoreType.DMA,
            pltpu.SemaphoreType.DMA,
        ],
    )
    def sc_conv(y_hbm, eidx_hbm, zeros_hbm, out_hbm,
                idx_v, slot0, slot1, slot2, slot3, acc_s,
                sem0, sem1, sem2, sem3):
        c = lax.axis_index("c")
        s = lax.axis_index("s")
        wid = c * NS + s
        pltpu.sync_copy(zeros_hbm.at[pl.ds(s * RPT, RPT)],
                        acc_s.at[pl.ds(s * RPT, RPT)])
        pltpu.sync_copy(eidx_hbm.at[wid], idx_v)
        plsc.subcore_barrier()

        gix = idx_v.at[0]
        dix = idx_v.at[1]
        H = CH // 2
        pltpu.async_copy(y_hbm.at[gix.at[0]], slot0, sem0)
        pltpu.async_copy(y_hbm.at[gix.at[1]], slot1, sem1)
        pltpu.async_copy(y_hbm.at[gix.at[H]], slot2, sem2)
        pltpu.async_copy(y_hbm.at[gix.at[H + 1]], slot3, sem3)

        def chunk(jj, carry):
            j = 2 * jj
            jp2 = lax.rem(j + 2, H)
            jp3 = lax.rem(j + 3, H)
            pltpu.make_async_copy(y_hbm.at[gix.at[0]], slot0, sem0).wait()
            pltpu.sync_copy(slot0, acc_s.at[dix.at[j]], add=True)
            pltpu.async_copy(y_hbm.at[gix.at[jp2]], slot0, sem0)
            pltpu.make_async_copy(y_hbm.at[gix.at[1]], slot1, sem1).wait()
            pltpu.sync_copy(slot1, acc_s.at[dix.at[j + 1]], add=True)
            pltpu.async_copy(y_hbm.at[gix.at[jp3]], slot1, sem1)
            pltpu.make_async_copy(y_hbm.at[gix.at[0]], slot2, sem2).wait()
            pltpu.sync_copy(slot2, acc_s.at[dix.at[H + j]], add=True)
            pltpu.async_copy(y_hbm.at[gix.at[H + jp2]], slot2, sem2)
            pltpu.make_async_copy(y_hbm.at[gix.at[1]], slot3, sem3).wait()
            pltpu.sync_copy(slot3, acc_s.at[dix.at[H + j + 1]], add=True)
            pltpu.async_copy(y_hbm.at[gix.at[H + jp3]], slot3, sem3)
            return carry

        lax.fori_loop(0, H // 2, chunk, 0)
        pltpu.make_async_copy(y_hbm.at[gix.at[0]], slot0, sem0).wait()
        pltpu.make_async_copy(y_hbm.at[gix.at[1]], slot1, sem1).wait()
        pltpu.make_async_copy(y_hbm.at[gix.at[0]], slot2, sem2).wait()
        pltpu.make_async_copy(y_hbm.at[gix.at[1]], slot3, sem3).wait()
        plsc.subcore_barrier()
        pltpu.sync_copy(acc_s.at[pl.ds(s * RPT, RPT)],
                        out_hbm.at[c, pl.ds(s * RPT, RPT)])

    return sc_conv


def _sc_conv(y, eidx, zeros):
    return _make_sc_conv()(y, eidx, zeros)



def kernel(x, edge_index, kernel_ids, W1, g1, b1, W2, g2, b2):
    src = edge_index[0].astype(jnp.int32)
    dst = edge_index[1].astype(jnp.int32)
    gidx = 2 * (kernel_ids.astype(jnp.int32) * N + src)
    gidx = gidx.reshape(1, NS, 1, CH, G)
    gidx = jnp.concatenate([gidx, gidx + 1], axis=0)
    didx = jnp.broadcast_to(dst.reshape(1, NS, 1, CH, G), (NC, NS, 1, CH, G))
    eidx = jnp.concatenate([gidx, didx], axis=2).reshape(NW, 2, CH, G)
    zeros = jnp.zeros((NP, CH2), jnp.float32)
    g1r, b1r = g1.reshape(1, C), b1.reshape(1, C)
    g2r, b2r = g2.reshape(1, C), b2.reshape(1, C)

    y1 = _transform(x, W1).reshape(NC * K * N, CH2)
    p1 = _sc_conv(y1, eidx, zeros)
    y2 = _mid(p1, g1r, b1r, W2).reshape(NC * K * N, CH2)
    p2 = _sc_conv(y2, eidx, zeros)
    return _final(p2, g2r, b2r, x)

# --- scband reference (transcript-rebuilt; emitter-appended) ---
"""Pipeline reference for scband-basic-block-3865470566930 (READ-ONLY COPY).

The authoritative reference and input builder live on the scoring server;
editing this copy changes nothing except your own understanding.
"""

import jax, jax.numpy as jnp
import numpy as np

N = 10000
E = 320000
C = 128
K = 9  # 3x3 kernel offsets in 2D


def setup_inputs(seed: int = 0) -> dict:
    key = jax.random.key(seed)
    ks = jax.random.split(key, 10)
    x = jax.random.normal(ks[0], (N, C), dtype=jnp.float32)
    edge_index = jax.random.randint(ks[1], (2, E), 0, N)
    kernel_ids = jax.random.randint(ks[2], (E,), 0, K)
    scale = 1.0 / np.sqrt(C)
    W1 = jax.random.normal(ks[3], (K, C, C), dtype=jnp.float32) * scale
    W2 = jax.random.normal(ks[4], (K, C, C), dtype=jnp.float32) * scale
    g1 = jnp.ones((C,), dtype=jnp.float32)
    b1 = jnp.zeros((C,), dtype=jnp.float32)
    g2 = jnp.ones((C,), dtype=jnp.float32)
    b2 = jnp.zeros((C,), dtype=jnp.float32)
    return {"x": x, "edge_index": edge_index, "kernel_ids": kernel_ids,
            "W1": W1, "g1": g1, "b1": b1, "W2": W2, "g2": g2, "b2": b2}


def _sparse_conv(h, W, edge_index, kernel_ids):
    # MinkowskiConvolution(kernel_size=3, stride=1, bias=False, D=2) as
    # per-kernel-offset transform + gather + scatter-add over the kernel map.
    y = jnp.einsum('nc,kco->kno', h, W)          # [K, N, Cout]
    msgs = y[kernel_ids, edge_index[0]]          # [E, Cout] gather
    out = jax.ops.segment_sum(msgs, edge_index[1], num_segments=N)  # scatter-add
    return out


def _layernorm(h, g, b, eps=1e-6):
    mu = jnp.mean(h, axis=-1, keepdims=True)
    var = jnp.var(h, axis=-1, keepdims=True)
    return (h - mu) / jnp.sqrt(var + eps) * g + b


def reference(x, edge_index, kernel_ids, W1, g1, b1, W2, g2, b2):
    residual = x
    out = _sparse_conv(x, W1, edge_index, kernel_ids)
    out = _layernorm(out, g1, b1)
    out = jax.nn.gelu(out)
    out = _sparse_conv(out, W2, edge_index, kernel_ids)
    out = _layernorm(out, g2, b2)
    out = out + residual  # downsample is None, stride=1, in_ch == out_ch
    out = jax.nn.gelu(out)
    return out

if __name__ == "__main__":
    import jax
    _d = setup_inputs()
    print(jax.jit(kernel)(*tuple(_d.values())))

</pallas_src>

<mosaic_0001>
#map = affine_map<(d0, d1) -> (0, 0)>
#map1 = affine_map<(d0, d1) -> (0, 0, 0, 0)>
#map2 = affine_map<(d0, d1) -> (0, 0, 0)>
module attributes {stable_mosaic.version = 14 : i64} {
  func.func @sc_conv(%arg0: i32, %arg1: i32, %arg2: memref<180000x64xf32, #tpu.memory_space<hbm>>, %arg3: memref<32x2x160x125xi32, #tpu.memory_space<hbm>>, %arg4: memref<10240x64xf32, #tpu.memory_space<hbm>>, %arg5: memref<2x10240x64xf32, #tpu.memory_space<hbm>>, %arg6: memref<2x160x125xi32, #tpu.memory_space<vmem>>, %arg7: memref<125x64xf32, #tpu.memory_space<vmem>>, %arg8: memref<125x64xf32, #tpu.memory_space<vmem>>, %arg9: memref<125x64xf32, #tpu.memory_space<vmem>>, %arg10: memref<125x64xf32, #tpu.memory_space<vmem>>, %arg11: memref<10240x64xf32, #tpu.memory_space<vmem_shared>>, %arg12: memref<!tpu.dma_semaphore, #tpu.memory_space<semaphore_mem>>, %arg13: memref<!tpu.dma_semaphore, #tpu.memory_space<semaphore_mem>>, %arg14: memref<!tpu.dma_semaphore, #tpu.memory_space<semaphore_mem>>, %arg15: memref<!tpu.dma_semaphore, #tpu.memory_space<semaphore_mem>>) attributes {dimension_semantics = [#tpu.dimension_semantics<core_parallel>, #tpu.dimension_semantics<subcore_parallel>], iteration_bounds = array<i64: 2, 16>, scalar_prefetch = 0 : i64, scratch_operands = 10 : i64, tpu.core_type = #tpu.core_type<sc_vector_subcore>, window_params = [{transform_indices = #map}, {transform_indices = #map1}, {transform_indices = #map}, {transform_indices = #map2}]} {
    %mul3A = arith.constant 16 : i32
    %mul3A_0 = arith.muli %arg0, %mul3A : i32
    %add3A = arith.addi %mul3A_0, %arg1 : i32
    %mul3A_1 = arith.constant 640 : i32
    %mul3A_2 = arith.muli %arg1, %mul3A_1 : i32
    %mul3A_3 = arith.constant 640 : i32
    %mul3A_4 = arith.muli %arg1, %mul3A_3 : i32
    "tpu.region"() ({
      %run_scoped3A = tpu.sem_alloc : memref<!tpu.dma_semaphore, #tpu.memory_space<semaphore_mem>>
      %dma_start3A_111 = arith.constant 0 : i32
      %dma_start3A_112 = tpu.memref_slice %arg11[%mul3A_4, %dma_start3A_111] : memref<10240x64xf32, #tpu.memory_space<vmem_shared>> -> memref<640x64xf32, #tpu.memory_space<vmem_shared>>
      %dma_start3A_113 = arith.constant 0 : i32
      %dma_start3A_114 = tpu.memref_slice %arg4[%mul3A_2, %dma_start3A_113] : memref<10240x64xf32, #tpu.memory_space<hbm>> -> memref<640x64xf32, #tpu.memory_space<hbm>>
      tpu.enqueue_dma source(%dma_start3A_114 : memref<640x64xf32, #tpu.memory_space<hbm>>) target(%dma_start3A_112 : memref<640x64xf32, #tpu.memory_space<vmem_shared>>) target_semaphore(%run_scoped3A : memref<!tpu.dma_semaphore, #tpu.memory_space<semaphore_mem>>)
      %dma_wait3A_115 = arith.constant 0 : i32
      %dma_wait3A_116 = tpu.memref_slice %arg11[%mul3A_4, %dma_wait3A_115] : memref<10240x64xf32, #tpu.memory_space<vmem_shared>> -> memref<640x64xf32, #tpu.memory_space<vmem_shared>>
      %dma_wait3A_117 = arith.constant 0 : i32
      %dma_wait3A_118 = tpu.memref_slice %arg4[%mul3A_2, %dma_wait3A_117] : memref<10240x64xf32, #tpu.memory_space<hbm>> -> memref<640x64xf32, #tpu.memory_space<hbm>>
      tpu.wait_dma2 semaphore(%run_scoped3A : memref<!tpu.dma_semaphore, #tpu.memory_space<semaphore_mem>>) src(%dma_wait3A_118 : memref<640x64xf32, #tpu.memory_space<hbm>>) dst(%dma_wait3A_116 : memref<640x64xf32, #tpu.memory_space<vmem_shared>>)
      tpu.yield
    }) : () -> ()
    "tpu.region"() ({
      %run_scoped3A = tpu.sem_alloc : memref<!tpu.dma_semaphore, #tpu.memory_space<semaphore_mem>>
      %dma_start3A_111 = arith.constant 0 : i32
      %dma_start3A_112 = arith.constant 0 : i32
      %dma_start3A_113 = arith.constant 0 : i32
      %dma_start3A_114 = tpu.memref_slice %arg3[%add3A, %dma_start3A_111, %dma_start3A_112, %dma_start3A_113] : memref<32x2x160x125xi32, #tpu.memory_space<hbm>> -> memref<1x2x160x125xi32, #tpu.memory_space<hbm>>
      %dma_start3A_115 = tpu.memref_squeeze %dma_start3A_114 : memref<1x2x160x125xi32, #tpu.memory_space<hbm>> -> memref<2x160x125xi32, #tpu.memory_space<hbm>>
      %dma_start3A_116 = arith.constant 0 : i32
      %dma_start3A_117 = arith.constant 0 : i32
      %dma_start3A_118 = arith.constant 0 : i32
      %dma_start3A_119 = tpu.memref_slice %arg3[%add3A, %dma_start3A_116, %dma_start3A_117, %dma_start3A_118] : memref<32x2x160x125xi32, #tpu.memory_space<hbm>> -> memref<1x2x160x125xi32, #tpu.memory_space<hbm>>
      %dma_start3A_120 = tpu.memref_squeeze %dma_start3A_119 : memref<1x2x160x125xi32, #tpu.memory_space<hbm>> -> memref<2x160x125xi32, #tpu.memory_space<hbm>>
      tpu.enqueue_dma source(%dma_start3A_120 : memref<2x160x125xi32, #tpu.memory_space<hbm>>) target(%arg6 : memref<2x160x125xi32, #tpu.memory_space<vmem>>) target_semaphore(%run_scoped3A : memref<!tpu.dma_semaphore, #tpu.memory_space<semaphore_mem>>)
      %dma_wait3A_121 = arith.constant 0 : i32
      %dma_wait3A_122 = arith.constant 0 : i32
      %dma_wait3A_123 = arith.constant 0 : i32
      %dma_wait3A_124 = tpu.memref_slice %arg3[%add3A, %dma_wait3A_121, %dma_wait3A_122, %dma_wait3A_123] : memref<32x2x160x125xi32, #tpu.memory_space<hbm>> -> memref<1x2x160x125xi32, #tpu.memory_space<hbm>>
      %dma_wait3A_125 = tpu.memref_squeeze %dma_wait3A_124 : memref<1x2x160x125xi32, #tpu.memory_space<hbm>> -> memref<2x160x125xi32, #tpu.memory_space<hbm>>
      %dma_wait3A_126 = arith.constant 0 : i32
      %dma_wait3A_127 = arith.constant 0 : i32
      %dma_wait3A_128 = arith.constant 0 : i32
      %dma_wait3A_129 = tpu.memref_slice %arg3[%add3A, %dma_wait3A_126, %dma_wait3A_127, %dma_wait3A_128] : memref<32x2x160x125xi32, #tpu.memory_space<hbm>> -> memref<1x2x160x125xi32, #tpu.memory_space<hbm>>
      %dma_wait3A_130 = tpu.memref_squeeze %dma_wait3A_129 : memref<1x2x160x125xi32, #tpu.memory_space<hbm>> -> memref<2x160x125xi32, #tpu.memory_space<hbm>>
      tpu.wait_dma2 semaphore(%run_scoped3A : memref<!tpu.dma_semaphore, #tpu.memory_space<semaphore_mem>>) src(%dma_wait3A_130 : memref<2x160x125xi32, #tpu.memory_space<hbm>>) dst(%arg6 : memref<2x160x125xi32, #tpu.memory_space<vmem>>)
      tpu.yield
    }) : () -> ()
    %barrier3A = arith.constant 0 : index
    tpu.barrier barrier_id(%barrier3A)
    %dma_start3A = arith.constant 0 : i32
    %dma_start3A_5 = arith.constant 0 : i32
    %dma_start3A_6 = arith.constant 0 : i32
    %dma_start3A_7 = arith.constant 0 : i32
    %dma_start3A_8 = tpu.memref_slice %arg6[%dma_start3A, %dma_start3A_6, %dma_start3A_7] : memref<2x160x125xi32, #tpu.memory_space<vmem>> -> memref<1x160x125xi32, #tpu.memory_space<vmem>>
    %dma_start3A_9 = tpu.memref_squeeze %dma_start3A_8 : memref<1x160x125xi32, #tpu.memory_space<vmem>> -> memref<160x125xi32, #tpu.memory_space<vmem>>
    %dma_start3A_10 = arith.constant 0 : i32
    %dma_start3A_11 = tpu.memref_slice %dma_start3A_9[%dma_start3A_5, %dma_start3A_10] : memref<160x125xi32, #tpu.memory_space<vmem>> -> memref<1x125xi32, #tpu.memory_space<vmem>>
    %dma_start3A_12 = tpu.memref_squeeze %dma_start3A_11 : memref<1x125xi32, #tpu.memory_space<vmem>> -> memref<125xi32, #tpu.memory_space<vmem>>
    %dma_start3A_13 = arith.constant 0 : i32
    %dma_start3A_14 = arith.constant 0 : i32
    %dma_start3A_15 = tpu.memref_slice %arg2[%dma_start3A_13, %dma_start3A_14] : memref<180000x64xf32, #tpu.memory_space<hbm>> -> memref<180000x64xf32, #tpu.memory_space<hbm>>
    tpu.enqueue_indirect_dma source(%dma_start3A_15 : memref<180000x64xf32, #tpu.memory_space<hbm>>) target(%arg7 : memref<125x64xf32, #tpu.memory_space<vmem>>) offsets(%dma_start3A_12 : memref<125xi32, #tpu.memory_space<vmem>>) semaphore(%arg12 : memref<!tpu.dma_semaphore, #tpu.memory_space<semaphore_mem>>)
    %dma_start3A_16 = arith.constant 0 : i32
    %dma_start3A_17 = arith.constant 1 : i32
    %dma_start3A_18 = arith.constant 0 : i32
    %dma_start3A_19 = arith.constant 0 : i32
    %dma_start3A_20 = tpu.memref_slice %arg6[%dma_start3A_16, %dma_start3A_18, %dma_start3A_19] : memref<2x160x125xi32, #tpu.memory_space<vmem>> -> memref<1x160x125xi32, #tpu.memory_space<vmem>>
    %dma_start3A_21 = tpu.memref_squeeze %dma_start3A_20 : memref<1x160x125xi32, #tpu.memory_space<vmem>> -> memref<160x125xi32, #tpu.memory_space<vmem>>
    %dma_start3A_22 = arith.constant 0 : i32
    %dma_start3A_23 = tpu.memref_slice %dma_start3A_21[%dma_start3A_17, %dma_start3A_22] : memref<160x125xi32, #tpu.memory_space<vmem>> -> memref<1x125xi32, #tpu.memory_space<vmem>>
    %dma_start3A_24 = tpu.memref_squeeze %dma_start3A_23 : memref<1x125xi32, #tpu.memory_space<vmem>> -> memref<125xi32, #tpu.memory_space<vmem>>
    %dma_start3A_25 = arith.constant 0 : i32
    %dma_start3A_26 = arith.constant 0 : i32
    %dma_start3A_27 = tpu.memref_slice %arg2[%dma_start3A_25, %dma_start3A_26] : memref<180000x64xf32, #tpu.memory_space<hbm>> -> memref<180000x64xf32, #tpu.memory_space<hbm>>
    tpu.enqueue_indirect_dma source(%dma_start3A_27 : memref<180000x64xf32, #tpu.memory_space<hbm>>) target(%arg8 : memref<125x64xf32, #tpu.memory_space<vmem>>) offsets(%dma_start3A_24 : memref<125xi32, #tpu.memory_space<vmem>>) semaphore(%arg13 : memref<!tpu.dma_semaphore, #tpu.memory_space<semaphore_mem>>)
    %dma_start3A_28 = arith.constant 0 : i32
    %dma_start3A_29 = arith.constant 80 : i32
    %dma_start3A_30 = arith.constant 0 : i32
    %dma_start3A_31 = arith.constant 0 : i32
    %dma_start3A_32 = tpu.memref_slice %arg6[%dma_start3A_28, %dma_start3A_30, %dma_start3A_31] : memref<2x160x125xi32, #tpu.memory_space<vmem>> -> memref<1x160x125xi32, #tpu.memory_space<vmem>>
    %dma_start3A_33 = tpu.memref_squeeze %dma_start3A_32 : memref<1x160x125xi32, #tpu.memory_space<vmem>> -> memref<160x125xi32, #tpu.memory_space<vmem>>
    %dma_start3A_34 = arith.constant 0 : i32
    %dma_start3A_35 = tpu.memref_slice %dma_start3A_33[%dma_start3A_29, %dma_start3A_34] : memref<160x125xi32, #tpu.memory_space<vmem>> -> memref<1x125xi32, #tpu.memory_space<vmem>>
    %dma_start3A_36 = tpu.memref_squeeze %dma_start3A_35 : memref<1x125xi32, #tpu.memory_space<vmem>> -> memref<125xi32, #tpu.memory_space<vmem>>
    %dma_start3A_37 = arith.constant 0 : i32
    %dma_start3A_38 = arith.constant 0 : i32
    %dma_start3A_39 = tpu.memref_slice %arg2[%dma_start3A_37, %dma_start3A_38] : memref<180000x64xf32, #tpu.memory_space<hbm>> -> memref<180000x64xf32, #tpu.memory_space<hbm>>
    tpu.enqueue_indirect_dma source(%dma_start3A_39 : memref<180000x64xf32, #tpu.memory_space<hbm>>) target(%arg9 : memref<125x64xf32, #tpu.memory_space<vmem>>) offsets(%dma_start3A_36 : memref<125xi32, #tpu.memory_space<vmem>>) semaphore(%arg14 : memref<!tpu.dma_semaphore, #tpu.memory_space<semaphore_mem>>)
    %dma_start3A_40 = arith.constant 0 : i32
    %dma_start3A_41 = arith.constant 81 : i32
    %dma_start3A_42 = arith.constant 0 : i32
    %dma_start3A_43 = arith.constant 0 : i32
    %dma_start3A_44 = tpu.memref_slice %arg6[%dma_start3A_40, %dma_start3A_42, %dma_start3A_43] : memref<2x160x125xi32, #tpu.memory_space<vmem>> -> memref<1x160x125xi32, #tpu.memory_space<vmem>>
    %dma_start3A_45 = tpu.memref_squeeze %dma_start3A_44 : memref<1x160x125xi32, #tpu.memory_space<vmem>> -> memref<160x125xi32, #tpu.memory_space<vmem>>
    %dma_start3A_46 = arith.constant 0 : i32
    %dma_start3A_47 = tpu.memref_slice %dma_start3A_45[%dma_start3A_41, %dma_start3A_46] : memref<160x125xi32, #tpu.memory_space<vmem>> -> memref<1x125xi32, #tpu.memory_space<vmem>>
    %dma_start3A_48 = tpu.memref_squeeze %dma_start3A_47 : memref<1x125xi32, #tpu.memory_space<vmem>> -> memref<125xi32, #tpu.memory_space<vmem>>
    %dma_start3A_49 = arith.constant 0 : i32
    %dma_start3A_50 = arith.constant 0 : i32
    %dma_start3A_51 = tpu.memref_slice %arg2[%dma_start3A_49, %dma_start3A_50] : memref<180000x64xf32, #tpu.memory_space<hbm>> -> memref<180000x64xf32, #tpu.memory_space<hbm>>
    tpu.enqueue_indirect_dma source(%dma_start3A_51 : memref<180000x64xf32, #tpu.memory_space<hbm>>) target(%arg10 : memref<125x64xf32, #tpu.memory_space<vmem>>) offsets(%dma_start3A_48 : memref<125xi32, #tpu.memory_space<vmem>>) semaphore(%arg15 : memref<!tpu.dma_semaphore, #tpu.memory_space<semaphore_mem>>)
    %scan3A = arith.constant 0 : i32
    %scan3A_52 = arith.constant 0 : i32
    %scan3A_53 = arith.constant 1 : i32
    %scan3A_54 = arith.constant 0 : i32
    %scan3A_55 = arith.constant 40 : i32
    %scan3A_56 = arith.addi %scan3A_54, %scan3A_55 : i32
    %scan3A_57 = arith.constant 1 : i32
    scf.for %scan3A_111 = %scan3A_54 to %scan3A_56 step %scan3A_57  : i32 {
      %mul3A_112 = arith.constant 2 : i32
      %mul3A_113 = arith.muli %mul3A_112, %scan3A_111 : i32
      %add3A_114 = arith.constant 2 : i32
      %add3A_115 = arith.addi %mul3A_113, %add3A_114 : i32
      %rem3A = arith.constant 80 : i32
      %rem3A_116 = arith.remsi %add3A_115, %rem3A : i32
      %add3A_117 = arith.constant 3 : i32
      %add3A_118 = arith.addi %mul3A_113, %add3A_117 : i32
      %rem3A_119 = arith.constant 80 : i32
      %rem3A_120 = arith.remsi %add3A_118, %rem3A_119 : i32
      %dma_wait3A_121 = arith.constant 0 : i32
      %dma_wait3A_122 = arith.constant 0 : i32
      %dma_wait3A_123 = arith.constant 0 : i32
      %dma_wait3A_124 = tpu.memref_slice %arg6[%scan3A_52, %dma_wait3A_122, %dma_wait3A_123] : memref<2x160x125xi32, #tpu.memory_space<vmem>> -> memref<1x160x125xi32, #tpu.memory_space<vmem>>
      %dma_wait3A_125 = tpu.memref_squeeze %dma_wait3A_124 : memref<1x160x125xi32, #tpu.memory_space<vmem>> -> memref<160x125xi32, #tpu.memory_space<vmem>>
      %dma_wait3A_126 = arith.constant 0 : i32
      %dma_wait3A_127 = tpu.memref_slice %dma_wait3A_125[%dma_wait3A_121, %dma_wait3A_126] : memref<160x125xi32, #tpu.memory_space<vmem>> -> memref<1x125xi32, #tpu.memory_space<vmem>>
      %dma_wait3A_128 = tpu.memref_squeeze %dma_wait3A_127 : memref<1x125xi32, #tpu.memory_space<vmem>> -> memref<125xi32, #tpu.memory_space<vmem>>
      %dma_wait3A_129 = arith.constant 0 : i32
      %dma_wait3A_130 = arith.constant 0 : i32
      %dma_wait3A_131 = tpu.memref_slice %arg2[%dma_wait3A_129, %dma_wait3A_130] : memref<180000x64xf32, #tpu.memory_space<hbm>> -> memref<180000x64xf32, #tpu.memory_space<hbm>>
      tpu.wait_indirect_dma semaphore(%arg12 : memref<!tpu.dma_semaphore, #tpu.memory_space<semaphore_mem>>) src(%dma_wait3A_131 : memref<180000x64xf32, #tpu.memory_space<hbm>>) dst(%arg7 : memref<125x64xf32, #tpu.memory_space<vmem>>)
      "tpu.region"() ({
        %run_scoped3A = tpu.sem_alloc : memref<!tpu.dma_semaphore, #tpu.memory_space<semaphore_mem>>
        %dma_start3A_217 = arith.constant 0 : i32
        %dma_start3A_218 = arith.constant 0 : i32
        %dma_start3A_219 = tpu.memref_slice %arg6[%scan3A_53, %dma_start3A_217, %dma_start3A_218] : memref<2x160x125xi32, #tpu.memory_space<vmem>> -> memref<1x160x125xi32, #tpu.memory_space<vmem>>
        %dma_start3A_220 = tpu.memref_squeeze %dma_start3A_219 : memref<1x160x125xi32, #tpu.memory_space<vmem>> -> memref<160x125xi32, #tpu.memory_space<vmem>>
        %dma_start3A_221 = arith.constant 0 : i32
        %dma_start3A_222 = tpu.memref_slice %dma_start3A_220[%mul3A_113, %dma_start3A_221] : memref<160x125xi32, #tpu.memory_space<vmem>> -> memref<1x125xi32, #tpu.memory_space<vmem>>
        %dma_start3A_223 = tpu.memref_squeeze %dma_start3A_222 : memref<1x125xi32, #tpu.memory_space<vmem>> -> memref<125xi32, #tpu.memory_space<vmem>>
        %dma_start3A_224 = arith.constant 0 : i32
        %dma_start3A_225 = arith.constant 0 : i32
        %dma_start3A_226 = tpu.memref_slice %arg11[%dma_start3A_224, %dma_start3A_225] : memref<10240x64xf32, #tpu.memory_space<vmem_shared>> -> memref<10240x64xf32, #tpu.memory_space<vmem_shared>>
        tpu.enqueue_indirect_dma source(%arg7 : memref<125x64xf32, #tpu.memory_space<vmem>>) target(%dma_start3A_226 : memref<10240x64xf32, #tpu.memory_space<vmem_shared>>) offsets(%dma_start3A_223 : memref<125xi32, #tpu.memory_space<vmem>>) semaphore(%run_scoped3A : memref<!tpu.dma_semaphore, #tpu.memory_space<semaphore_mem>>) {add = true}
        %dma_wait3A_227 = arith.constant 0 : i32
        %dma_wait3A_228 = arith.constant 0 : i32
        %dma_wait3A_229 = tpu.memref_slice %arg6[%scan3A_53, %dma_wait3A_227, %dma_wait3A_228] : memref<2x160x125xi32, #tpu.memory_space<vmem>> -> memref<1x160x125xi32, #tpu.memory_space<vmem>>
        %dma_wait3A_230 = tpu.memref_squeeze %dma_wait3A_229 : memref<1x160x125xi32, #tpu.memory_space<vmem>> -> memref<160x125xi32, #tpu.memory_space<vmem>>
        %dma_wait3A_231 = arith.constant 0 : i32
        %dma_wait3A_232 = tpu.memref_slice %dma_wait3A_230[%mul3A_113, %dma_wait3A_231] : memref<160x125xi32, #tpu.memory_space<vmem>> -> memref<1x125xi32, #tpu.memory_space<vmem>>
        %dma_wait3A_233 = tpu.memref_squeeze %dma_wait3A_232 : memref<1x125xi32, #tpu.memory_space<vmem>> -> memref<125xi32, #tpu.memory_space<vmem>>
        %dma_wait3A_234 = arith.constant 0 : i32
        %dma_wait3A_235 = arith.constant 0 : i32
        %dma_wait3A_236 = tpu.memref_slice %arg11[%dma_wait3A_234, %dma_wait3A_235] : memref<10240x64xf32, #tpu.memory_space<vmem_shared>> -> memref<10240x64xf32, #tpu.memory_space<vmem_shared>>
        tpu.wait_indirect_dma semaphore(%run_scoped3A : memref<!tpu.dma_semaphore, #tpu.memory_space<semaphore_mem>>) src(%arg7 : memref<125x64xf32, #tpu.memory_space<vmem>>) dst(%dma_wait3A_236 : memref<10240x64xf32, #tpu.memory_space<vmem_shared>>)
        tpu.yield
      }) : () -> ()
      %dma_start3A_132 = arith.constant 0 : i32
      %dma_start3A_133 = arith.constant 0 : i32
      %dma_start3A_134 = tpu.memref_slice %arg6[%scan3A_52, %dma_start3A_132, %dma_start3A_133] : memref<2x160x125xi32, #tpu.memory_space<vmem>> -> memref<1x160x125xi32, #tpu.memory_space<vmem>>
      %dma_start3A_135 = tpu.memref_squeeze %dma_start3A_134 : memref<1x160x125xi32, #tpu.memory_space<vmem>> -> memref<160x125xi32, #tpu.memory_space<vmem>>
      %dma_start3A_136 = arith.constant 0 : i32
      %dma_start3A_137 = tpu.memref_slice %dma_start3A_135[%rem3A_116, %dma_start3A_136] : memref<160x125xi32, #tpu.memory_space<vmem>> -> memref<1x125xi32, #tpu.memory_space<vmem>>
      %dma_start3A_138 = tpu.memref_squeeze %dma_start3A_137 : memref<1x125xi32, #tpu.memory_space<vmem>> -> memref<125xi32, #tpu.memory_space<vmem>>
      %dma_start3A_139 = arith.constant 0 : i32
      %dma_start3A_140 = arith.constant 0 : i32
      %dma_start3A_141 = tpu.memref_slice %arg2[%dma_start3A_139, %dma_start3A_140] : memref<180000x64xf32, #tpu.memory_space<hbm>> -> memref<180000x64xf32, #tpu.memory_space<hbm>>
      tpu.enqueue_indirect_dma source(%dma_start3A_141 : memref<180000x64xf32, #tpu.memory_space<hbm>>) target(%arg7 : memref<125x64xf32, #tpu.memory_space<vmem>>) offsets(%dma_start3A_138 : memref<125xi32, #tpu.memory_space<vmem>>) semaphore(%arg12 : memref<!tpu.dma_semaphore, #tpu.memory_space<semaphore_mem>>)
      %dma_wait3A_142 = arith.constant 1 : i32
      %dma_wait3A_143 = arith.constant 0 : i32
      %dma_wait3A_144 = arith.constant 0 : i32
      %dma_wait3A_145 = tpu.memref_slice %arg6[%scan3A_52, %dma_wait3A_143, %dma_wait3A_144] : memref<2x160x125xi32, #tpu.memory_space<vmem>> -> memref<1x160x125xi32, #tpu.memory_space<vmem>>
      %dma_wait3A_146 = tpu.memref_squeeze %dma_wait3A_145 : memref<1x160x125xi32, #tpu.memory_space<vmem>> -> memref<160x125xi32, #tpu.memory_space<vmem>>
      %dma_wait3A_147 = arith.constant 0 : i32
      %dma_wait3A_148 = tpu.memref_slice %dma_wait3A_146[%dma_wait3A_142, %dma_wait3A_147] : memref<160x125xi32, #tpu.memory_space<vmem>> -> memref<1x125xi32, #tpu.memory_space<vmem>>
      %dma_wait3A_149 = tpu.memref_squeeze %dma_wait3A_148 : memref<1x125xi32, #tpu.memory_space<vmem>> -> memref<125xi32, #tpu.memory_space<vmem>>
      %dma_wait3A_150 = arith.constant 0 : i32
      %dma_wait3A_151 = arith.constant 0 : i32
      %dma_wait3A_152 = tpu.memref_slice %arg2[%dma_wait3A_150, %dma_wait3A_151] : memref<180000x64xf32, #tpu.memory_space<hbm>> -> memref<180000x64xf32, #tpu.memory_space<hbm>>
      tpu.wait_indirect_dma semaphore(%arg13 : memref<!tpu.dma_semaphore, #tpu.memory_space<semaphore_mem>>) src(%dma_wait3A_152 : memref<180000x64xf32, #tpu.memory_space<hbm>>) dst(%arg8 : memref<125x64xf32, #tpu.memory_space<vmem>>)
      %add3A_153 = arith.constant 1 : i32
      %add3A_154 = arith.addi %mul3A_113, %add3A_153 : i32
      "tpu.region"() ({
        %run_scoped3A = tpu.sem_alloc : memref<!tpu.dma_semaphore, #tpu.memory_space<semaphore_mem>>
        %dma_start3A_217 = arith.constant 0 : i32
        %dma_start3A_218 = arith.constant 0 : i32
        %dma_start3A_219 = tpu.memref_slice %arg6[%scan3A_53, %dma_start3A_217, %dma_start3A_218] : memref<2x160x125xi32, #tpu.memory_space<vmem>> -> memref<1x160x125xi32, #tpu.memory_space<vmem>>
        %dma_start3A_220 = tpu.memref_squeeze %dma_start3A_219 : memref<1x160x125xi32, #tpu.memory_space<vmem>> -> memref<160x125xi32, #tpu.memory_space<vmem>>
        %dma_start3A_221 = arith.constant 0 : i32
        %dma_start3A_222 = tpu.memref_slice %dma_start3A_220[%add3A_154, %dma_start3A_221] : memref<160x125xi32, #tpu.memory_space<vmem>> -> memref<1x125xi32, #tpu.memory_space<vmem>>
        %dma_start3A_223 = tpu.memref_squeeze %dma_start3A_222 : memref<1x125xi32, #tpu.memory_space<vmem>> -> memref<125xi32, #tpu.memory_space<vmem>>
        %dma_start3A_224 = arith.constant 0 : i32
        %dma_start3A_225 = arith.constant 0 : i32
        %dma_start3A_226 = tpu.memref_slice %arg11[%dma_start3A_224, %dma_start3A_225] : memref<10240x64xf32, #tpu.memory_space<vmem_shared>> -> memref<10240x64xf32, #tpu.memory_space<vmem_shared>>
        tpu.enqueue_indirect_dma source(%arg8 : memref<125x64xf32, #tpu.memory_space<vmem>>) target(%dma_start3A_226 : memref<10240x64xf32, #tpu.memory_space<vmem_shared>>) offsets(%dma_start3A_223 : memref<125xi32, #tpu.memory_space<vmem>>) semaphore(%run_scoped3A : memref<!tpu.dma_semaphore, #tpu.memory_space<semaphore_mem>>) {add = true}
        %dma_wait3A_227 = arith.constant 0 : i32
        %dma_wait3A_228 = arith.constant 0 : i32
        %dma_wait3A_229 = tpu.memref_slice %arg6[%scan3A_53, %dma_wait3A_227, %dma_wait3A_228] : memref<2x160x125xi32, #tpu.memory_space<vmem>> -> memref<1x160x125xi32, #tpu.memory_space<vmem>>
        %dma_wait3A_230 = tpu.memref_squeeze %dma_wait3A_229 : memref<1x160x125xi32, #tpu.memory_space<vmem>> -> memref<160x125xi32, #tpu.memory_space<vmem>>
        %dma_wait3A_231 = arith.constant 0 : i32
        %dma_wait3A_232 = tpu.memref_slice %dma_wait3A_230[%add3A_154, %dma_wait3A_231] : memref<160x125xi32, #tpu.memory_space<vmem>> -> memref<1x125xi32, #tpu.memory_space<vmem>>
        %dma_wait3A_233 = tpu.memref_squeeze %dma_wait3A_232 : memref<1x125xi32, #tpu.memory_space<vmem>> -> memref<125xi32, #tpu.memory_space<vmem>>
        %dma_wait3A_234 = arith.constant 0 : i32
        %dma_wait3A_235 = arith.constant 0 : i32
        %dma_wait3A_236 = tpu.memref_slice %arg11[%dma_wait3A_234, %dma_wait3A_235] : memref<10240x64xf32, #tpu.memory_space<vmem_shared>> -> memref<10240x64xf32, #tpu.memory_space<vmem_shared>>
        tpu.wait_indirect_dma semaphore(%run_scoped3A : memref<!tpu.dma_semaphore, #tpu.memory_space<semaphore_mem>>) src(%arg8 : memref<125x64xf32, #tpu.memory_space<vmem>>) dst(%dma_wait3A_236 : memref<10240x64xf32, #tpu.memory_space<vmem_shared>>)
        tpu.yield
      }) : () -> ()
      %dma_start3A_155 = arith.constant 0 : i32
      %dma_start3A_156 = arith.constant 0 : i32
      %dma_start3A_157 = tpu.memref_slice %arg6[%scan3A_52, %dma_start3A_155, %dma_start3A_156] : memref<2x160x125xi32, #tpu.memory_space<vmem>> -> memref<1x160x125xi32, #tpu.memory_space<vmem>>
      %dma_start3A_158 = tpu.memref_squeeze %dma_start3A_157 : memref<1x160x125xi32, #tpu.memory_space<vmem>> -> memref<160x125xi32, #tpu.memory_space<vmem>>
      %dma_start3A_159 = arith.constant 0 : i32
      %dma_start3A_160 = tpu.memref_slice %dma_start3A_158[%rem3A_120, %dma_start3A_159] : memref<160x125xi32, #tpu.memory_space<vmem>> -> memref<1x125xi32, #tpu.memory_space<vmem>>
      %dma_start3A_161 = tpu.memref_squeeze %dma_start3A_160 : memref<1x125xi32, #tpu.memory_space<vmem>> -> memref<125xi32, #tpu.memory_space<vmem>>
      %dma_start3A_162 = arith.constant 0 : i32
      %dma_start3A_163 = arith.constant 0 : i32
      %dma_start3A_164 = tpu.memref_slice %arg2[%dma_start3A_162, %dma_start3A_163] : memref<180000x64xf32, #tpu.memory_space<hbm>> -> memref<180000x64xf32, #tpu.memory_space<hbm>>
      tpu.enqueue_indirect_dma source(%dma_start3A_164 : memref<180000x64xf32, #tpu.memory_space<hbm>>) target(%arg8 : memref<125x64xf32, #tpu.memory_space<vmem>>) offsets(%dma_start3A_161 : memref<125xi32, #tpu.memory_space<vmem>>) semaphore(%arg13 : memref<!tpu.dma_semaphore, #tpu.memory_space<semaphore_mem>>)
      %dma_wait3A_165 = arith.constant 0 : i32
      %dma_wait3A_166 = arith.constant 0 : i32
      %dma_wait3A_167 = arith.constant 0 : i32
      %dma_wait3A_168 = tpu.memref_slice %arg6[%scan3A_52, %dma_wait3A_166, %dma_wait3A_167] : memref<2x160x125xi32, #tpu.memory_space<vmem>> -> memref<1x160x125xi32, #tpu.memory_space<vmem>>
      %dma_wait3A_169 = tpu.memref_squeeze %dma_wait3A_168 : memref<1x160x125xi32, #tpu.memory_space<vmem>> -> memref<160x125xi32, #tpu.memory_space<vmem>>
      %dma_wait3A_170 = arith.constant 0 : i32
      %dma_wait3A_171 = tpu.memref_slice %dma_wait3A_169[%dma_wait3A_165, %dma_wait3A_170] : memref<160x125xi32, #tpu.memory_space<vmem>> -> memref<1x125xi32, #tpu.memory_space<vmem>>
      %dma_wait3A_172 = tpu.memref_squeeze %dma_wait3A_171 : memref<1x125xi32, #tpu.memory_space<vmem>> -> memref<125xi32, #tpu.memory_space<vmem>>
      %dma_wait3A_173 = arith.constant 0 : i32
      %dma_wait3A_174 = arith.constant 0 : i32
      %dma_wait3A_175 = tpu.memref_slice %arg2[%dma_wait3A_173, %dma_wait3A_174] : memref<180000x64xf32, #tpu.memory_space<hbm>> -> memref<180000x64xf32, #tpu.memory_space<hbm>>
      tpu.wait_indirect_dma semaphore(%arg14 : memref<!tpu.dma_semaphore, #tpu.memory_space<semaphore_mem>>) src(%dma_wait3A_175 : memref<180000x64xf32, #tpu.memory_space<hbm>>) dst(%arg9 : memref<125x64xf32, #tpu.memory_space<vmem>>)
      %add3A_176 = arith.constant 80 : i32
      %add3A_177 = arith.addi %add3A_176, %mul3A_113 : i32
      "tpu.region"() ({
        %run_scoped3A = tpu.sem_alloc : memref<!tpu.dma_semaphore, #tpu.memory_space<semaphore_mem>>
        %dma_start3A_217 = arith.constant 0 : i32
        %dma_start3A_218 = arith.constant 0 : i32
        %dma_start3A_219 = tpu.memref_slice %arg6[%scan3A_53, %dma_start3A_217, %dma_start3A_218] : memref<2x160x125xi32, #tpu.memory_space<vmem>> -> memref<1x160x125xi32, #tpu.memory_space<vmem>>
        %dma_start3A_220 = tpu.memref_squeeze %dma_start3A_219 : memref<1x160x125xi32, #tpu.memory_space<vmem>> -> memref<160x125xi32, #tpu.memory_space<vmem>>
        %dma_start3A_221 = arith.constant 0 : i32
        %dma_start3A_222 = tpu.memref_slice %dma_start3A_220[%add3A_177, %dma_start3A_221] : memref<160x125xi32, #tpu.memory_space<vmem>> -> memref<1x125xi32, #tpu.memory_space<vmem>>
        %dma_start3A_223 = tpu.memref_squeeze %dma_start3A_222 : memref<1x125xi32, #tpu.memory_space<vmem>> -> memref<125xi32, #tpu.memory_space<vmem>>
        %dma_start3A_224 = arith.constant 0 : i32
        %dma_start3A_225 = arith.constant 0 : i32
        %dma_start3A_226 = tpu.memref_slice %arg11[%dma_start3A_224, %dma_start3A_225] : memref<10240x64xf32, #tpu.memory_space<vmem_shared>> -> memref<10240x64xf32, #tpu.memory_space<vmem_shared>>
        tpu.enqueue_indirect_dma source(%arg9 : memref<125x64xf32, #tpu.memory_space<vmem>>) target(%dma_start3A_226 : memref<10240x64xf32, #tpu.memory_space<vmem_shared>>) offsets(%dma_start3A_223 : memref<125xi32, #tpu.memory_space<vmem>>) semaphore(%run_scoped3A : memref<!tpu.dma_semaphore, #tpu.memory_space<semaphore_mem>>) {add = true}
        %dma_wait3A_227 = arith.constant 0 : i32
        %dma_wait3A_228 = arith.constant 0 : i32
        %dma_wait3A_229 = tpu.memref_slice %arg6[%scan3A_53, %dma_wait3A_227, %dma_wait3A_228] : memref<2x160x125xi32, #tpu.memory_space<vmem>> -> memref<1x160x125xi32, #tpu.memory_space<vmem>>
        %dma_wait3A_230 = tpu.memref_squeeze %dma_wait3A_229 : memref<1x160x125xi32, #tpu.memory_space<vmem>> -> memref<160x125xi32, #tpu.memory_space<vmem>>
        %dma_wait3A_231 = arith.constant 0 : i32
        %dma_wait3A_232 = tpu.memref_slice %dma_wait3A_230[%add3A_177, %dma_wait3A_231] : memref<160x125xi32, #tpu.memory_space<vmem>> -> memref<1x125xi32, #tpu.memory_space<vmem>>
        %dma_wait3A_233 = tpu.memref_squeeze %dma_wait3A_232 : memref<1x125xi32, #tpu.memory_space<vmem>> -> memref<125xi32, #tpu.memory_space<vmem>>
        %dma_wait3A_234 = arith.constant 0 : i32
        %dma_wait3A_235 = arith.constant 0 : i32
        %dma_wait3A_236 = tpu.memref_slice %arg11[%dma_wait3A_234, %dma_wait3A_235] : memref<10240x64xf32, #tpu.memory_space<vmem_shared>> -> memref<10240x64xf32, #tpu.memory_space<vmem_shared>>
        tpu.wait_indirect_dma semaphore(%run_scoped3A : memref<!tpu.dma_semaphore, #tpu.memory_space<semaphore_mem>>) src(%arg9 : memref<125x64xf32, #tpu.memory_space<vmem>>) dst(%dma_wait3A_236 : memref<10240x64xf32, #tpu.memory_space<vmem_shared>>)
        tpu.yield
      }) : () -> ()
      %add3A_178 = arith.constant 80 : i32
      %add3A_179 = arith.addi %add3A_178, %rem3A_116 : i32
      %dma_start3A_180 = arith.constant 0 : i32
      %dma_start3A_181 = arith.constant 0 : i32
      %dma_start3A_182 = tpu.memref_slice %arg6[%scan3A_52, %dma_start3A_180, %dma_start3A_181] : memref<2x160x125xi32, #tpu.memory_space<vmem>> -> memref<1x160x125xi32, #tpu.memory_space<vmem>>
      %dma_start3A_183 = tpu.memref_squeeze %dma_start3A_182 : memref<1x160x125xi32, #tpu.memory_space<vmem>> -> memref<160x125xi32, #tpu.memory_space<vmem>>
      %dma_start3A_184 = arith.constant 0 : i32
      %dma_start3A_185 = tpu.memref_slice %dma_start3A_183[%add3A_179, %dma_start3A_184] : memref<160x125xi32, #tpu.memory_space<vmem>> -> memref<1x125xi32, #tpu.memory_space<vmem>>
      %dma_start3A_186 = tpu.memref_squeeze %dma_start3A_185 : memref<1x125xi32, #tpu.memory_space<vmem>> -> memref<125xi32, #tpu.memory_space<vmem>>
      %dma_start3A_187 = arith.constant 0 : i32
      %dma_start3A_188 = arith.constant 0 : i32
      %dma_start3A_189 = tpu.memref_slice %arg2[%dma_start3A_187, %dma_start3A_188] : memref<180000x64xf32, #tpu.memory_space<hbm>> -> memref<180000x64xf32, #tpu.memory_space<hbm>>
      tpu.enqueue_indirect_dma source(%dma_start3A_189 : memref<180000x64xf32, #tpu.memory_space<hbm>>) target(%arg9 : memref<125x64xf32, #tpu.memory_space<vmem>>) offsets(%dma_start3A_186 : memref<125xi32, #tpu.memory_space<vmem>>) semaphore(%arg14 : memref<!tpu.dma_semaphore, #tpu.memory_space<semaphore_mem>>)
      %dma_wait3A_190 = arith.constant 1 : i32
      %dma_wait3A_191 = arith.constant 0 : i32
      %dma_wait3A_192 = arith.constant 0 : i32
      %dma_wait3A_193 = tpu.memref_slice %arg6[%scan3A_52, %dma_wait3A_191, %dma_wait3A_192] : memref<2x160x125xi32, #tpu.memory_space<vmem>> -> memref<1x160x125xi32, #tpu.memory_space<vmem>>
      %dma_wait3A_194 = tpu.memref_squeeze %dma_wait3A_193 : memref<1x160x125xi32, #tpu.memory_space<vmem>> -> memref<160x125xi32, #tpu.memory_space<vmem>>
      %dma_wait3A_195 = arith.constant 0 : i32
      %dma_wait3A_196 = tpu.memref_slice %dma_wait3A_194[%dma_wait3A_190, %dma_wait3A_195] : memref<160x125xi32, #tpu.memory_space<vmem>> -> memref<1x125xi32, #tpu.memory_space<vmem>>
      %dma_wait3A_197 = tpu.memref_squeeze %dma_wait3A_196 : memref<1x125xi32, #tpu.memory_space<vmem>> -> memref<125xi32, #tpu.memory_space<vmem>>
      %dma_wait3A_198 = arith.constant 0 : i32
      %dma_wait3A_199 = arith.constant 0 : i32
      %dma_wait3A_200 = tpu.memref_slice %arg2[%dma_wait3A_198, %dma_wait3A_199] : memref<180000x64xf32, #tpu.memory_space<hbm>> -> memref<180000x64xf32, #tpu.memory_space<hbm>>
      tpu.wait_indirect_dma semaphore(%arg15 : memref<!tpu.dma_semaphore, #tpu.memory_space<semaphore_mem>>) src(%dma_wait3A_200 : memref<180000x64xf32, #tpu.memory_space<hbm>>) dst(%arg10 : memref<125x64xf32, #tpu.memory_space<vmem>>)
      %add3A_201 = arith.constant 80 : i32
      %add3A_202 = arith.addi %add3A_201, %mul3A_113 : i32
      %add3A_203 = arith.constant 1 : i32
      %add3A_204 = arith.addi %add3A_202, %add3A_203 : i32
      "tpu.region"() ({
        %run_scoped3A = tpu.sem_alloc : memref<!tpu.dma_semaphore, #tpu.memory_space<semaphore_mem>>
        %dma_start3A_217 = arith.constant 0 : i32
        %dma_start3A_218 = arith.constant 0 : i32
        %dma_start3A_219 = tpu.memref_slice %arg6[%scan3A_53, %dma_start3A_217, %dma_start3A_218] : memref<2x160x125xi32, #tpu.memory_space<vmem>> -> memref<1x160x125xi32, #tpu.memory_space<vmem>>
        %dma_start3A_220 = tpu.memref_squeeze %dma_start3A_219 : memref<1x160x125xi32, #tpu.memory_space<vmem>> -> memref<160x125xi32, #tpu.memory_space<vmem>>
        %dma_start3A_221 = arith.constant 0 : i32
        %dma_start3A_222 = tpu.memref_slice %dma_start3A_220[%add3A_204, %dma_start3A_221] : memref<160x125xi32, #tpu.memory_space<vmem>> -> memref<1x125xi32, #tpu.memory_space<vmem>>
        %dma_start3A_223 = tpu.memref_squeeze %dma_start3A_222 : memref<1x125xi32, #tpu.memory_space<vmem>> -> memref<125xi32, #tpu.memory_space<vmem>>
        %dma_start3A_224 = arith.constant 0 : i32
        %dma_start3A_225 = arith.constant 0 : i32
        %dma_start3A_226 = tpu.memref_slice %arg11[%dma_start3A_224, %dma_start3A_225] : memref<10240x64xf32, #tpu.memory_space<vmem_shared>> -> memref<10240x64xf32, #tpu.memory_space<vmem_shared>>
        tpu.enqueue_indirect_dma source(%arg10 : memref<125x64xf32, #tpu.memory_space<vmem>>) target(%dma_start3A_226 : memref<10240x64xf32, #tpu.memory_space<vmem_shared>>) offsets(%dma_start3A_223 : memref<125xi32, #tpu.memory_space<vmem>>) semaphore(%run_scoped3A : memref<!tpu.dma_semaphore, #tpu.memory_space<semaphore_mem>>) {add = true}
        %dma_wait3A_227 = arith.constant 0 : i32
        %dma_wait3A_228 = arith.constant 0 : i32
        %dma_wait3A_229 = tpu.memref_slice %arg6[%scan3A_53, %dma_wait3A_227, %dma_wait3A_228] : memref<2x160x125xi32, #tpu.memory_space<vmem>> -> memref<1x160x125xi32, #tpu.memory_space<vmem>>
        %dma_wait3A_230 = tpu.memref_squeeze %dma_wait3A_229 : memref<1x160x125xi32, #tpu.memory_space<vmem>> -> memref<160x125xi32, #tpu.memory_space<vmem>>
        %dma_wait3A_231 = arith.constant 0 : i32
        %dma_wait3A_232 = tpu.memref_slice %dma_wait3A_230[%add3A_204, %dma_wait3A_231] : memref<160x125xi32, #tpu.memory_space<vmem>> -> memref<1x125xi32, #tpu.memory_space<vmem>>
        %dma_wait3A_233 = tpu.memref_squeeze %dma_wait3A_232 : memref<1x125xi32, #tpu.memory_space<vmem>> -> memref<125xi32, #tpu.memory_space<vmem>>
        %dma_wait3A_234 = arith.constant 0 : i32
        %dma_wait3A_235 = arith.constant 0 : i32
        %dma_wait3A_236 = tpu.memref_slice %arg11[%dma_wait3A_234, %dma_wait3A_235] : memref<10240x64xf32, #tpu.memory_space<vmem_shared>> -> memref<10240x64xf32, #tpu.memory_space<vmem_shared>>
        tpu.wait_indirect_dma semaphore(%run_scoped3A : memref<!tpu.dma_semaphore, #tpu.memory_space<semaphore_mem>>) src(%arg10 : memref<125x64xf32, #tpu.memory_space<vmem>>) dst(%dma_wait3A_236 : memref<10240x64xf32, #tpu.memory_space<vmem_shared>>)
        tpu.yield
      }) : () -> ()
      %add3A_205 = arith.constant 80 : i32
      %add3A_206 = arith.addi %add3A_205, %rem3A_120 : i32
      %dma_start3A_207 = arith.constant 0 : i32
      %dma_start3A_208 = arith.constant 0 : i32
      %dma_start3A_209 = tpu.memref_slice %arg6[%scan3A_52, %dma_start3A_207, %dma_start3A_208] : memref<2x160x125xi32, #tpu.memory_space<vmem>> -> memref<1x160x125xi32, #tpu.memory_space<vmem>>
      %dma_start3A_210 = tpu.memref_squeeze %dma_start3A_209 : memref<1x160x125xi32, #tpu.memory_space<vmem>> -> memref<160x125xi32, #tpu.memory_space<vmem>>
      %dma_start3A_211 = arith.constant 0 : i32
      %dma_start3A_212 = tpu.memref_slice %dma_start3A_210[%add3A_206, %dma_start3A_211] : memref<160x125xi32, #tpu.memory_space<vmem>> -> memref<1x125xi32, #tpu.memory_space<vmem>>
      %dma_start3A_213 = tpu.memref_squeeze %dma_start3A_212 : memref<1x125xi32, #tpu.memory_space<vmem>> -> memref<125xi32, #tpu.memory_space<vmem>>
      %dma_start3A_214 = arith.constant 0 : i32
      %dma_start3A_215 = arith.constant 0 : i32
      %dma_start3A_216 = tpu.memref_slice %arg2[%dma_start3A_214, %dma_start3A_215] : memref<180000x64xf32, #tpu.memory_space<hbm>> -> memref<180000x64xf32, #tpu.memory_space<hbm>>
      tpu.enqueue_indirect_dma source(%dma_start3A_216 : memref<180000x64xf32, #tpu.memory_space<hbm>>) target(%arg10 : memref<125x64xf32, #tpu.memory_space<vmem>>) offsets(%dma_start3A_213 : memref<125xi32, #tpu.memory_space<vmem>>) semaphore(%arg15 : memref<!tpu.dma_semaphore, #tpu.memory_space<semaphore_mem>>)
    }
    %scan3A_58 = arith.constant 40 : i32
    %dma_wait3A = arith.constant 0 : i32
    %dma_wait3A_59 = arith.constant 0 : i32
    %dma_wait3A_60 = arith.constant 0 : i32
    %dma_wait3A_61 = arith.constant 0 : i32
    %dma_wait3A_62 = tpu.memref_slice %arg6[%dma_wait3A, %dma_wait3A_60, %dma_wait3A_61] : memref<2x160x125xi32, #tpu.memory_space<vmem>> -> memref<1x160x125xi32, #tpu.memory_space<vmem>>
    %dma_wait3A_63 = tpu.memref_squeeze %dma_wait3A_62 : memref<1x160x125xi32, #tpu.memory_space<vmem>> -> memref<160x125xi32, #tpu.memory_space<vmem>>
    %dma_wait3A_64 = arith.constant 0 : i32
    %dma_wait3A_65 = tpu.memref_slice %dma_wait3A_63[%dma_wait3A_59, %dma_wait3A_64] : memref<160x125xi32, #tpu.memory_space<vmem>> -> memref<1x125xi32, #tpu.memory_space<vmem>>
    %dma_wait3A_66 = tpu.memref_squeeze %dma_wait3A_65 : memref<1x125xi32, #tpu.memory_space<vmem>> -> memref<125xi32, #tpu.memory_space<vmem>>
    %dma_wait3A_67 = arith.constant 0 : i32
    %dma_wait3A_68 = arith.constant 0 : i32
    %dma_wait3A_69 = tpu.memref_slice %arg2[%dma_wait3A_67, %dma_wait3A_68] : memref<180000x64xf32, #tpu.memory_space<hbm>> -> memref<180000x64xf32, #tpu.memory_space<hbm>>
    tpu.wait_indirect_dma semaphore(%arg12 : memref<!tpu.dma_semaphore, #tpu.memory_space<semaphore_mem>>) src(%dma_wait3A_69 : memref<180000x64xf32, #tpu.memory_space<hbm>>) dst(%arg7 : memref<125x64xf32, #tpu.memory_space<vmem>>)
    %dma_wait3A_70 = arith.constant 0 : i32
    %dma_wait3A_71 = arith.constant 1 : i32
    %dma_wait3A_72 = arith.constant 0 : i32
    %dma_wait3A_73 = arith.constant 0 : i32
    %dma_wait3A_74 = tpu.memref_slice %arg6[%dma_wait3A_70, %dma_wait3A_72, %dma_wait3A_73] : memref<2x160x125xi32, #tpu.memory_space<vmem>> -> memref<1x160x125xi32, #tpu.memory_space<vmem>>
    %dma_wait3A_75 = tpu.memref_squeeze %dma_wait3A_74 : memref<1x160x125xi32, #tpu.memory_space<vmem>> -> memref<160x125xi32, #tpu.memory_space<vmem>>
    %dma_wait3A_76 = arith.constant 0 : i32
    %dma_wait3A_77 = tpu.memref_slice %dma_wait3A_75[%dma_wait3A_71, %dma_wait3A_76] : memref<160x125xi32, #tpu.memory_space<vmem>> -> memref<1x125xi32, #tpu.memory_space<vmem>>
    %dma_wait3A_78 = tpu.memref_squeeze %dma_wait3A_77 : memref<1x125xi32, #tpu.memory_space<vmem>> -> memref<125xi32, #tpu.memory_space<vmem>>
    %dma_wait3A_79 = arith.constant 0 : i32
    %dma_wait3A_80 = arith.constant 0 : i32
    %dma_wait3A_81 = tpu.memref_slice %arg2[%dma_wait3A_79, %dma_wait3A_80] : memref<180000x64xf32, #tpu.memory_space<hbm>> -> memref<180000x64xf32, #tpu.memory_space<hbm>>
    tpu.wait_indirect_dma semaphore(%arg13 : memref<!tpu.dma_semaphore, #tpu.memory_space<semaphore_mem>>) src(%dma_wait3A_81 : memref<180000x64xf32, #tpu.memory_space<hbm>>) dst(%arg8 : memref<125x64xf32, #tpu.memory_space<vmem>>)
    %dma_wait3A_82 = arith.constant 0 : i32
    %dma_wait3A_83 = arith.constant 0 : i32
    %dma_wait3A_84 = arith.constant 0 : i32
    %dma_wait3A_85 = arith.constant 0 : i32
    %dma_wait3A_86 = tpu.memref_slice %arg6[%dma_wait3A_82, %dma_wait3A_84, %dma_wait3A_85] : memref<2x160x125xi32, #tpu.memory_space<vmem>> -> memref<1x160x125xi32, #tpu.memory_space<vmem>>
    %dma_wait3A_87 = tpu.memref_squeeze %dma_wait3A_86 : memref<1x160x125xi32, #tpu.memory_space<vmem>> -> memref<160x125xi32, #tpu.memory_space<vmem>>
    %dma_wait3A_88 = arith.constant 0 : i32
    %dma_wait3A_89 = tpu.memref_slice %dma_wait3A_87[%dma_wait3A_83, %dma_wait3A_88] : memref<160x125xi32, #tpu.memory_space<vmem>> -> memref<1x125xi32, #tpu.memory_space<vmem>>
    %dma_wait3A_90 = tpu.memref_squeeze %dma_wait3A_89 : memref<1x125xi32, #tpu.memory_space<vmem>> -> memref<125xi32, #tpu.memory_space<vmem>>
    %dma_wait3A_91 = arith.constant 0 : i32
    %dma_wait3A_92 = arith.constant 0 : i32
    %dma_wait3A_93 = tpu.memref_slice %arg2[%dma_wait3A_91, %dma_wait3A_92] : memref<180000x64xf32, #tpu.memory_space<hbm>> -> memref<180000x64xf32, #tpu.memory_space<hbm>>
    tpu.wait_indirect_dma semaphore(%arg14 : memref<!tpu.dma_semaphore, #tpu.memory_space<semaphore_mem>>) src(%dma_wait3A_93 : memref<180000x64xf32, #tpu.memory_space<hbm>>) dst(%arg9 : memref<125x64xf32, #tpu.memory_space<vmem>>)
    %dma_wait3A_94 = arith.constant 0 : i32
    %dma_wait3A_95 = arith.constant 1 : i32
    %dma_wait3A_96 = arith.constant 0 : i32
    %dma_wait3A_97 = arith.constant 0 : i32
    %dma_wait3A_98 = tpu.memref_slice %arg6[%dma_wait3A_94, %dma_wait3A_96, %dma_wait3A_97] : memref<2x160x125xi32, #tpu.memory_space<vmem>> -> memref<1x160x125xi32, #tpu.memory_space<vmem>>
    %dma_wait3A_99 = tpu.memref_squeeze %dma_wait3A_98 : memref<1x160x125xi32, #tpu.memory_space<vmem>> -> memref<160x125xi32, #tpu.memory_space<vmem>>
    %dma_wait3A_100 = arith.constant 0 : i32
    %dma_wait3A_101 = tpu.memref_slice %dma_wait3A_99[%dma_wait3A_95, %dma_wait3A_100] : memref<160x125xi32, #tpu.memory_space<vmem>> -> memref<1x125xi32, #tpu.memory_space<vmem>>
    %dma_wait3A_102 = tpu.memref_squeeze %dma_wait3A_101 : memref<1x125xi32, #tpu.memory_space<vmem>> -> memref<125xi32, #tpu.memory_space<vmem>>
    %dma_wait3A_103 = arith.constant 0 : i32
    %dma_wait3A_104 = arith.constant 0 : i32
    %dma_wait3A_105 = tpu.memref_slice %arg2[%dma_wait3A_103, %dma_wait3A_104] : memref<180000x64xf32, #tpu.memory_space<hbm>> -> memref<180000x64xf32, #tpu.memory_space<hbm>>
    tpu.wait_indirect_dma semaphore(%arg15 : memref<!tpu.dma_semaphore, #tpu.memory_space<semaphore_mem>>) src(%dma_wait3A_105 : memref<180000x64xf32, #tpu.memory_space<hbm>>) dst(%arg10 : memref<125x64xf32, #tpu.memory_space<vmem>>)
    %barrier3A_106 = arith.constant 0 : index
    tpu.barrier barrier_id(%barrier3A_106)
    %mul3A_107 = arith.constant 640 : i32
    %mul3A_108 = arith.muli %arg1, %mul3A_107 : i32
    %mul3A_109 = arith.constant 640 : i32
    %mul3A_110 = arith.muli %arg1, %mul3A_109 : i32
    "tpu.region"() ({
      %run_scoped3A = tpu.sem_alloc : memref<!tpu.dma_semaphore, #tpu.memory_space<semaphore_mem>>
      %dma_start3A_111 = arith.constant 0 : i32
      %dma_start3A_112 = tpu.memref_slice %arg5[%arg0, %mul3A_110, %dma_start3A_111] : memref<2x10240x64xf32, #tpu.memory_space<hbm>> -> memref<1x640x64xf32, #tpu.memory_space<hbm>>
      %dma_start3A_113 = tpu.memref_squeeze %dma_start3A_112 : memref<1x640x64xf32, #tpu.memory_space<hbm>> -> memref<640x64xf32, #tpu.memory_space<hbm>>
      %dma_start3A_114 = arith.constant 0 : i32
      %dma_start3A_115 = tpu.memref_slice %arg11[%mul3A_108, %dma_start3A_114] : memref<10240x64xf32, #tpu.memory_space<vmem_shared>> -> memref<640x64xf32, #tpu.memory_space<vmem_shared>>
      tpu.enqueue_dma source(%dma_start3A_115 : memref<640x64xf32, #tpu.memory_space<vmem_shared>>) target(%dma_start3A_113 : memref<640x64xf32, #tpu.memory_space<hbm>>) target_semaphore(%run_scoped3A : memref<!tpu.dma_semaphore, #tpu.memory_space<semaphore_mem>>)
      %dma_wait3A_116 = arith.constant 0 : i32
      %dma_wait3A_117 = tpu.memref_slice %arg5[%arg0, %mul3A_110, %dma_wait3A_116] : memref<2x10240x64xf32, #tpu.memory_space<hbm>> -> memref<1x640x64xf32, #tpu.memory_space<hbm>>
      %dma_wait3A_118 = tpu.memref_squeeze %dma_wait3A_117 : memref<1x640x64xf32, #tpu.memory_space<hbm>> -> memref<640x64xf32, #tpu.memory_space<hbm>>
      %dma_wait3A_119 = arith.constant 0 : i32
      %dma_wait3A_120 = tpu.memref_slice %arg11[%mul3A_108, %dma_wait3A_119] : memref<10240x64xf32, #tpu.memory_space<vmem_shared>> -> memref<640x64xf32, #tpu.memory_space<vmem_shared>>
      tpu.wait_dma2 semaphore(%run_scoped3A : memref<!tpu.dma_semaphore, #tpu.memory_space<semaphore_mem>>) src(%dma_wait3A_120 : memref<640x64xf32, #tpu.memory_space<vmem_shared>>) dst(%dma_wait3A_118 : memref<640x64xf32, #tpu.memory_space<hbm>>)
      tpu.yield
    }) : () -> ()
    return
  }
}

#map = affine_map<(d0, d1) -> (0, 0)>
#map1 = affine_map<(d0, d1) -> (0, 0, 0, 0)>
#map2 = affine_map<(d0, d1) -> (0, 0, 0)>
module attributes {stable_mosaic.version = 14 : i64} {
  func.func @sc_conv(%arg0: i32, %arg1: i32, %arg2: memref<180000x64xf32, #tpu.memory_space<hbm>>, %arg3: memref<32x2x160x125xi32, #tpu.memory_space<hbm>>, %arg4: memref<10240x64xf32, #tpu.memory_space<hbm>>, %arg5: memref<2x10240x64xf32, #tpu.memory_space<hbm>>, %arg6: memref<2x160x125xi32, #tpu.memory_space<vmem>>, %arg7: memref<125x64xf32, #tpu.memory_space<vmem>>, %arg8: memref<125x64xf32, #tpu.memory_space<vmem>>, %arg9: memref<125x64xf32, #tpu.memory_space<vmem>>, %arg10: memref<125x64xf32, #tpu.memory_space<vmem>>, %arg11: memref<10240x64xf32, #tpu.memory_space<vmem_shared>>, %arg12: memref<!tpu.dma_semaphore, #tpu.memory_space<semaphore_mem>>, %arg13: memref<!tpu.dma_semaphore, #tpu.memory_space<semaphore_mem>>, %arg14: memref<!tpu.dma_semaphore, #tpu.memory_space<semaphore_mem>>, %arg15: memref<!tpu.dma_semaphore, #tpu.memory_space<semaphore_mem>>) attributes {dimension_semantics = [#tpu.dimension_semantics<core_parallel>, #tpu.dimension_semantics<subcore_parallel>], iteration_bounds = array<i64: 2, 16>, scalar_prefetch = 0 : i64, scratch_operands = 10 : i64, tpu.core_type = #tpu.core_type<sc_vector_subcore>, window_params = [{transform_indices = #map}, {transform_indices = #map1}, {transform_indices = #map}, {transform_indices = #map2}]} {
    %mul3A = arith.constant 16 : i32
    %mul3A_0 = arith.muli %arg0, %mul3A : i32
    %add3A = arith.addi %mul3A_0, %arg1 : i32
    %mul3A_1 = arith.constant 640 : i32
    %mul3A_2 = arith.muli %arg1, %mul3A_1 : i32
    %mul3A_3 = arith.constant 640 : i32
    %mul3A_4 = arith.muli %arg1, %mul3A_3 : i32
    "tpu.region"() ({
      %run_scoped3A = tpu.sem_alloc : memref<!tpu.dma_semaphore, #tpu.memory_space<semaphore_mem>>
      %dma_start3A_111 = arith.constant 0 : i32
      %dma_start3A_112 = tpu.memref_slice %arg11[%mul3A_4, %dma_start3A_111] : memref<10240x64xf32, #tpu.memory_space<vmem_shared>> -> memref<640x64xf32, #tpu.memory_space<vmem_shared>>
      %dma_start3A_113 = arith.constant 0 : i32
      %dma_start3A_114 = tpu.memref_slice %arg4[%mul3A_2, %dma_start3A_113] : memref<10240x64xf32, #tpu.memory_space<hbm>> -> memref<640x64xf32, #tpu.memory_space<hbm>>
      tpu.enqueue_dma source(%dma_start3A_114 : memref<640x64xf32, #tpu.memory_space<hbm>>) target(%dma_start3A_112 : memref<640x64xf32, #tpu.memory_space<vmem_shared>>) target_semaphore(%run_scoped3A : memref<!tpu.dma_semaphore, #tpu.memory_space<semaphore_mem>>)
      %dma_wait3A_115 = arith.constant 0 : i32
      %dma_wait3A_116 = tpu.memref_slice %arg11[%mul3A_4, %dma_wait3A_115] : memref<10240x64xf32, #tpu.memory_space<vmem_shared>> -> memref<640x64xf32, #tpu.memory_space<vmem_shared>>
      %dma_wait3A_117 = arith.constant 0 : i32
      %dma_wait3A_118 = tpu.memref_slice %arg4[%mul3A_2, %dma_wait3A_117] : memref<10240x64xf32, #tpu.memory_space<hbm>> -> memref<640x64xf32, #tpu.memory_space<hbm>>
      tpu.wait_dma2 semaphore(%run_scoped3A : memref<!tpu.dma_semaphore, #tpu.memory_space<semaphore_mem>>) src(%dma_wait3A_118 : memref<640x64xf32, #tpu.memory_space<hbm>>) dst(%dma_wait3A_116 : memref<640x64xf32, #tpu.memory_space<vmem_shared>>)
      tpu.yield
    }) : () -> ()
    "tpu.region"() ({
      %run_scoped3A = tpu.sem_alloc : memref<!tpu.dma_semaphore, #tpu.memory_space<semaphore_mem>>
      %dma_start3A_111 = arith.constant 0 : i32
      %dma_start3A_112 = arith.constant 0 : i32
      %dma_start3A_113 = arith.constant 0 : i32
      %dma_start3A_114 = tpu.memref_slice %arg3[%add3A, %dma_start3A_111, %dma_start3A_112, %dma_start3A_113] : memref<32x2x160x125xi32, #tpu.memory_space<hbm>> -> memref<1x2x160x125xi32, #tpu.memory_space<hbm>>
      %dma_start3A_115 = tpu.memref_squeeze %dma_start3A_114 : memref<1x2x160x125xi32, #tpu.memory_space<hbm>> -> memref<2x160x125xi32, #tpu.memory_space<hbm>>
      %dma_start3A_116 = arith.constant 0 : i32
      %dma_start3A_117 = arith.constant 0 : i32
      %dma_start3A_118 = arith.constant 0 : i32
      %dma_start3A_119 = tpu.memref_slice %arg3[%add3A, %dma_start3A_116, %dma_start3A_117, %dma_start3A_118] : memref<32x2x160x125xi32, #tpu.memory_space<hbm>> -> memref<1x2x160x125xi32, #tpu.memory_space<hbm>>
      %dma_start3A_120 = tpu.memref_squeeze %dma_start3A_119 : memref<1x2x160x125xi32, #tpu.memory_space<hbm>> -> memref<2x160x125xi32, #tpu.memory_space<hbm>>
      tpu.enqueue_dma source(%dma_start3A_120 : memref<2x160x125xi32, #tpu.memory_space<hbm>>) target(%arg6 : memref<2x160x125xi32, #tpu.memory_space<vmem>>) target_semaphore(%run_scoped3A : memref<!tpu.dma_semaphore, #tpu.memory_space<semaphore_mem>>)
      %dma_wait3A_121 = arith.constant 0 : i32
      %dma_wait3A_122 = arith.constant 0 : i32
      %dma_wait3A_123 = arith.constant 0 : i32
      %dma_wait3A_124 = tpu.memref_slice %arg3[%add3A, %dma_wait3A_121, %dma_wait3A_122, %dma_wait3A_123] : memref<32x2x160x125xi32, #tpu.memory_space<hbm>> -> memref<1x2x160x125xi32, #tpu.memory_space<hbm>>
      %dma_wait3A_125 = tpu.memref_squeeze %dma_wait3A_124 : memref<1x2x160x125xi32, #tpu.memory_space<hbm>> -> memref<2x160x125xi32, #tpu.memory_space<hbm>>
      %dma_wait3A_126 = arith.constant 0 : i32
      %dma_wait3A_127 = arith.constant 0 : i32
      %dma_wait3A_128 = arith.constant 0 : i32
      %dma_wait3A_129 = tpu.memref_slice %arg3[%add3A, %dma_wait3A_126, %dma_wait3A_127, %dma_wait3A_128] : memref<32x2x160x125xi32, #tpu.memory_space<hbm>> -> memref<1x2x160x125xi32, #tpu.memory_space<hbm>>
      %dma_wait3A_130 = tpu.memref_squeeze %dma_wait3A_129 : memref<1x2x160x125xi32, #tpu.memory_space<hbm>> -> memref<2x160x125xi32, #tpu.memory_space<hbm>>
      tpu.wait_dma2 semaphore(%run_scoped3A : memref<!tpu.dma_semaphore, #tpu.memory_space<semaphore_mem>>) src(%dma_wait3A_130 : memref<2x160x125xi32, #tpu.memory_space<hbm>>) dst(%arg6 : memref<2x160x125xi32, #tpu.memory_space<vmem>>)
      tpu.yield
    }) : () -> ()
    %barrier3A = arith.constant 0 : index
    tpu.barrier barrier_id(%barrier3A)
    %dma_start3A = arith.constant 0 : i32
    %dma_start3A_5 = arith.constant 0 : i32
    %dma_start3A_6 = arith.constant 0 : i32
    %dma_start3A_7 = arith.constant 0 : i32
    %dma_start3A_8 = tpu.memref_slice %arg6[%dma_start3A, %dma_start3A_6, %dma_start3A_7] : memref<2x160x125xi32, #tpu.memory_space<vmem>> -> memref<1x160x125xi32, #tpu.memory_space<vmem>>
    %dma_start3A_9 = tpu.memref_squeeze %dma_start3A_8 : memref<1x160x125xi32, #tpu.memory_space<vmem>> -> memref<160x125xi32, #tpu.memory_space<vmem>>
    %dma_start3A_10 = arith.constant 0 : i32
    %dma_start3A_11 = tpu.memref_slice %dma_start3A_9[%dma_start3A_5, %dma_start3A_10] : memref<160x125xi32, #tpu.memory_space<vmem>> -> memref<1x125xi32, #tpu.memory_space<vmem>>
    %dma_start3A_12 = tpu.memref_squeeze %dma_start3A_11 : memref<1x125xi32, #tpu.memory_space<vmem>> -> memref<125xi32, #tpu.memory_space<vmem>>
    %dma_start3A_13 = arith.constant 0 : i32
    %dma_start3A_14 = arith.constant 0 : i32
    %dma_start3A_15 = tpu.memref_slice %arg2[%dma_start3A_13, %dma_start3A_14] : memref<180000x64xf32, #tpu.memory_space<hbm>> -> memref<180000x64xf32, #tpu.memory_space<hbm>>
    tpu.enqueue_indirect_dma source(%dma_start3A_15 : memref<180000x64xf32, #tpu.memory_space<hbm>>) target(%arg7 : memref<125x64xf32, #tpu.memory_space<vmem>>) offsets(%dma_start3A_12 : memref<125xi32, #tpu.memory_space<vmem>>) semaphore(%arg12 : memref<!tpu.dma_semaphore, #tpu.memory_space<semaphore_mem>>)
    %dma_start3A_16 = arith.constant 0 : i32
    %dma_start3A_17 = arith.constant 1 : i32
    %dma_start3A_18 = arith.constant 0 : i32
    %dma_start3A_19 = arith.constant 0 : i32
    %dma_start3A_20 = tpu.memref_slice %arg6[%dma_start3A_16, %dma_start3A_18, %dma_start3A_19] : memref<2x160x125xi32, #tpu.memory_space<vmem>> -> memref<1x160x125xi32, #tpu.memory_space<vmem>>
    %dma_start3A_21 = tpu.memref_squeeze %dma_start3A_20 : memref<1x160x125xi32, #tpu.memory_space<vmem>> -> memref<160x125xi32, #tpu.memory_space<vmem>>
    %dma_start3A_22 = arith.constant 0 : i32
    %dma_start3A_23 = tpu.memref_slice %dma_start3A_21[%dma_start3A_17, %dma_start3A_22] : memref<160x125xi32, #tpu.memory_space<vmem>> -> memref<1x125xi32, #tpu.memory_space<vmem>>
    %dma_start3A_24 = tpu.memref_squeeze %dma_start3A_23 : memref<1x125xi32, #tpu.memory_space<vmem>> -> memref<125xi32, #tpu.memory_space<vmem>>
    %dma_start3A_25 = arith.constant 0 : i32
    %dma_start3A_26 = arith.constant 0 : i32
    %dma_start3A_27 = tpu.memref_slice %arg2[%dma_start3A_25, %dma_start3A_26] : memref<180000x64xf32, #tpu.memory_space<hbm>> -> memref<180000x64xf32, #tpu.memory_space<hbm>>
    tpu.enqueue_indirect_dma source(%dma_start3A_27 : memref<180000x64xf32, #tpu.memory_space<hbm>>) target(%arg8 : memref<125x64xf32, #tpu.memory_space<vmem>>) offsets(%dma_start3A_24 : memref<125xi32, #tpu.memory_space<vmem>>) semaphore(%arg13 : memref<!tpu.dma_semaphore, #tpu.memory_space<semaphore_mem>>)
    %dma_start3A_28 = arith.constant 0 : i32
    %dma_start3A_29 = arith.constant 80 : i32
    %dma_start3A_30 = arith.constant 0 : i32
    %dma_start3A_31 = arith.constant 0 : i32
    %dma_start3A_32 = tpu.memref_slice %arg6[%dma_start3A_28, %dma_start3A_30, %dma_start3A_31] : memref<2x160x125xi32, #tpu.memory_space<vmem>> -> memref<1x160x125xi32, #tpu.memory_space<vmem>>
    %dma_start3A_33 = tpu.memref_squeeze %dma_start3A_32 : memref<1x160x125xi32, #tpu.memory_space<vmem>> -> memref<160x125xi32, #tpu.memory_space<vmem>>
    %dma_start3A_34 = arith.constant 0 : i32
    %dma_start3A_35 = tpu.memref_slice %dma_start3A_33[%dma_start3A_29, %dma_start3A_34] : memref<160x125xi32, #tpu.memory_space<vmem>> -> memref<1x125xi32, #tpu.memory_space<vmem>>
    %dma_start3A_36 = tpu.memref_squeeze %dma_start3A_35 : memref<1x125xi32, #tpu.memory_space<vmem>> -> memref<125xi32, #tpu.memory_space<vmem>>
    %dma_start3A_37 = arith.constant 0 : i32
    %dma_start3A_38 = arith.constant 0 : i32
    %dma_start3A_39 = tpu.memref_slice %arg2[%dma_start3A_37, %dma_start3A_38] : memref<180000x64xf32, #tpu.memory_space<hbm>> -> memref<180000x64xf32, #tpu.memory_space<hbm>>
    tpu.enqueue_indirect_dma source(%dma_start3A_39 : memref<180000x64xf32, #tpu.memory_space<hbm>>) target(%arg9 : memref<125x64xf32, #tpu.memory_space<vmem>>) offsets(%dma_start3A_36 : memref<125xi32, #tpu.memory_space<vmem>>) semaphore(%arg14 : memref<!tpu.dma_semaphore, #tpu.memory_space<semaphore_mem>>)
    %dma_start3A_40 = arith.constant 0 : i32
    %dma_start3A_41 = arith.constant 81 : i32
    %dma_start3A_42 = arith.constant 0 : i32
    %dma_start3A_43 = arith.constant 0 : i32
    %dma_start3A_44 = tpu.memref_slice %arg6[%dma_start3A_40, %dma_start3A_42, %dma_start3A_43] : memref<2x160x125xi32, #tpu.memory_space<vmem>> -> memref<1x160x125xi32, #tpu.memory_space<vmem>>
    %dma_start3A_45 = tpu.memref_squeeze %dma_start3A_44 : memref<1x160x125xi32, #tpu.memory_space<vmem>> -> memref<160x125xi32, #tpu.memory_space<vmem>>
    %dma_start3A_46 = arith.constant 0 : i32
    %dma_start3A_47 = tpu.memref_slice %dma_start3A_45[%dma_start3A_41, %dma_start3A_46] : memref<160x125xi32, #tpu.memory_space<vmem>> -> memref<1x125xi32, #tpu.memory_space<vmem>>
    %dma_start3A_48 = tpu.memref_squeeze %dma_start3A_47 : memref<1x125xi32, #tpu.memory_space<vmem>> -> memref<125xi32, #tpu.memory_space<vmem>>
    %dma_start3A_49 = arith.constant 0 : i32
    %dma_start3A_50 = arith.constant 0 : i32
    %dma_start3A_51 = tpu.memref_slice %arg2[%dma_start3A_49, %dma_start3A_50] : memref<180000x64xf32, #tpu.memory_space<hbm>> -> memref<180000x64xf32, #tpu.memory_space<hbm>>
    tpu.enqueue_indirect_dma source(%dma_start3A_51 : memref<180000x64xf32, #tpu.memory_space<hbm>>) target(%arg10 : memref<125x64xf32, #tpu.memory_space<vmem>>) offsets(%dma_start3A_48 : memref<125xi32, #tpu.memory_space<vmem>>) semaphore(%arg15 : memref<!tpu.dma_semaphore, #tpu.memory_space<semaphore_mem>>)
    %scan3A = arith.constant 0 : i32
    %scan3A_52 = arith.constant 0 : i32
    %scan3A_53 = arith.constant 1 : i32
    %scan3A_54 = arith.constant 0 : i32
    %scan3A_55 = arith.constant 40 : i32
    %scan3A_56 = arith.addi %scan3A_54, %scan3A_55 : i32
    %scan3A_57 = arith.constant 1 : i32
    scf.for %scan3A_111 = %scan3A_54 to %scan3A_56 step %scan3A_57  : i32 {
      %mul3A_112 = arith.constant 2 : i32
      %mul3A_113 = arith.muli %mul3A_112, %scan3A_111 : i32
      %add3A_114 = arith.constant 2 : i32
      %add3A_115 = arith.addi %mul3A_113, %add3A_114 : i32
      %rem3A = arith.constant 80 : i32
      %rem3A_116 = arith.remsi %add3A_115, %rem3A : i32
      %add3A_117 = arith.constant 3 : i32
      %add3A_118 = arith.addi %mul3A_113, %add3A_117 : i32
      %rem3A_119 = arith.constant 80 : i32
      %rem3A_120 = arith.remsi %add3A_118, %rem3A_119 : i32
      %dma_wait3A_121 = arith.constant 0 : i32
      %dma_wait3A_122 = arith.constant 0 : i32
      %dma_wait3A_123 = arith.constant 0 : i32
      %dma_wait3A_124 = tpu.memref_slice %arg6[%scan3A_52, %dma_wait3A_122, %dma_wait3A_123] : memref<2x160x125xi32, #tpu.memory_space<vmem>> -> memref<1x160x125xi32, #tpu.memory_space<vmem>>
      %dma_wait3A_125 = tpu.memref_squeeze %dma_wait3A_124 : memref<1x160x125xi32, #tpu.memory_space<vmem>> -> memref<160x125xi32, #tpu.memory_space<vmem>>
      %dma_wait3A_126 = arith.constant 0 : i32
      %dma_wait3A_127 = tpu.memref_slice %dma_wait3A_125[%dma_wait3A_121, %dma_wait3A_126] : memref<160x125xi32, #tpu.memory_space<vmem>> -> memref<1x125xi32, #tpu.memory_space<vmem>>
      %dma_wait3A_128 = tpu.memref_squeeze %dma_wait3A_127 : memref<1x125xi32, #tpu.memory_space<vmem>> -> memref<125xi32, #tpu.memory_space<vmem>>
      %dma_wait3A_129 = arith.constant 0 : i32
      %dma_wait3A_130 = arith.constant 0 : i32
      %dma_wait3A_131 = tpu.memref_slice %arg2[%dma_wait3A_129, %dma_wait3A_130] : memref<180000x64xf32, #tpu.memory_space<hbm>> -> memref<180000x64xf32, #tpu.memory_space<hbm>>
      tpu.wait_indirect_dma semaphore(%arg12 : memref<!tpu.dma_semaphore, #tpu.memory_space<semaphore_mem>>) src(%dma_wait3A_131 : memref<180000x64xf32, #tpu.memory_space<hbm>>) dst(%arg7 : memref<125x64xf32, #tpu.memory_space<vmem>>)
      "tpu.region"() ({
        %run_scoped3A = tpu.sem_alloc : memref<!tpu.dma_semaphore, #tpu.memory_space<semaphore_mem>>
        %dma_start3A_217 = arith.constant 0 : i32
        %dma_start3A_218 = arith.constant 0 : i32
        %dma_start3A_219 = tpu.memref_slice %arg6[%scan3A_53, %dma_start3A_217, %dma_start3A_218] : memref<2x160x125xi32, #tpu.memory_space<vmem>> -> memref<1x160x125xi32, #tpu.memory_space<vmem>>
        %dma_start3A_220 = tpu.memref_squeeze %dma_start3A_219 : memref<1x160x125xi32, #tpu.memory_space<vmem>> -> memref<160x125xi32, #tpu.memory_space<vmem>>
        %dma_start3A_221 = arith.constant 0 : i32
        %dma_start3A_222 = tpu.memref_slice %dma_start3A_220[%mul3A_113, %dma_start3A_221] : memref<160x125xi32, #tpu.memory_space<vmem>> -> memref<1x125xi32, #tpu.memory_space<vmem>>
        %dma_start3A_223 = tpu.memref_squeeze %dma_start3A_222 : memref<1x125xi32, #tpu.memory_space<vmem>> -> memref<125xi32, #tpu.memory_space<vmem>>
        %dma_start3A_224 = arith.constant 0 : i32
        %dma_start3A_225 = arith.constant 0 : i32
        %dma_start3A_226 = tpu.memref_slice %arg11[%dma_start3A_224, %dma_start3A_225] : memref<10240x64xf32, #tpu.memory_space<vmem_shared>> -> memref<10240x64xf32, #tpu.memory_space<vmem_shared>>
        tpu.enqueue_indirect_dma source(%arg7 : memref<125x64xf32, #tpu.memory_space<vmem>>) target(%dma_start3A_226 : memref<10240x64xf32, #tpu.memory_space<vmem_shared>>) offsets(%dma_start3A_223 : memref<125xi32, #tpu.memory_space<vmem>>) semaphore(%run_scoped3A : memref<!tpu.dma_semaphore, #tpu.memory_space<semaphore_mem>>) {add = true}
        %dma_wait3A_227 = arith.constant 0 : i32
        %dma_wait3A_228 = arith.constant 0 : i32
        %dma_wait3A_229 = tpu.memref_slice %arg6[%scan3A_53, %dma_wait3A_227, %dma_wait3A_228] : memref<2x160x125xi32, #tpu.memory_space<vmem>> -> memref<1x160x125xi32, #tpu.memory_space<vmem>>
        %dma_wait3A_230 = tpu.memref_squeeze %dma_wait3A_229 : memref<1x160x125xi32, #tpu.memory_space<vmem>> -> memref<160x125xi32, #tpu.memory_space<vmem>>
        %dma_wait3A_231 = arith.constant 0 : i32
        %dma_wait3A_232 = tpu.memref_slice %dma_wait3A_230[%mul3A_113, %dma_wait3A_231] : memref<160x125xi32, #tpu.memory_space<vmem>> -> memref<1x125xi32, #tpu.memory_space<vmem>>
        %dma_wait3A_233 = tpu.memref_squeeze %dma_wait3A_232 : memref<1x125xi32, #tpu.memory_space<vmem>> -> memref<125xi32, #tpu.memory_space<vmem>>
        %dma_wait3A_234 = arith.constant 0 : i32
        %dma_wait3A_235 = arith.constant 0 : i32
        %dma_wait3A_236 = tpu.memref_slice %arg11[%dma_wait3A_234, %dma_wait3A_235] : memref<10240x64xf32, #tpu.memory_space<vmem_shared>> -> memref<10240x64xf32, #tpu.memory_space<vmem_shared>>
        tpu.wait_indirect_dma semaphore(%run_scoped3A : memref<!tpu.dma_semaphore, #tpu.memory_space<semaphore_mem>>) src(%arg7 : memref<125x64xf32, #tpu.memory_space<vmem>>) dst(%dma_wait3A_236 : memref<10240x64xf32, #tpu.memory_space<vmem_shared>>)
        tpu.yield
      }) : () -> ()
      %dma_start3A_132 = arith.constant 0 : i32
      %dma_start3A_133 = arith.constant 0 : i32
      %dma_start3A_134 = tpu.memref_slice %arg6[%scan3A_52, %dma_start3A_132, %dma_start3A_133] : memref<2x160x125xi32, #tpu.memory_space<vmem>> -> memref<1x160x125xi32, #tpu.memory_space<vmem>>
      %dma_start3A_135 = tpu.memref_squeeze %dma_start3A_134 : memref<1x160x125xi32, #tpu.memory_space<vmem>> -> memref<160x125xi32, #tpu.memory_space<vmem>>
      %dma_start3A_136 = arith.constant 0 : i32
      %dma_start3A_137 = tpu.memref_slice %dma_start3A_135[%rem3A_116, %dma_start3A_136] : memref<160x125xi32, #tpu.memory_space<vmem>> -> memref<1x125xi32, #tpu.memory_space<vmem>>
      %dma_start3A_138 = tpu.memref_squeeze %dma_start3A_137 : memref<1x125xi32, #tpu.memory_space<vmem>> -> memref<125xi32, #tpu.memory_space<vmem>>
      %dma_start3A_139 = arith.constant 0 : i32
      %dma_start3A_140 = arith.constant 0 : i32
      %dma_start3A_141 = tpu.memref_slice %arg2[%dma_start3A_139, %dma_start3A_140] : memref<180000x64xf32, #tpu.memory_space<hbm>> -> memref<180000x64xf32, #tpu.memory_space<hbm>>
      tpu.enqueue_indirect_dma source(%dma_start3A_141 : memref<180000x64xf32, #tpu.memory_space<hbm>>) target(%arg7 : memref<125x64xf32, #tpu.memory_space<vmem>>) offsets(%dma_start3A_138 : memref<125xi32, #tpu.memory_space<vmem>>) semaphore(%arg12 : memref<!tpu.dma_semaphore, #tpu.memory_space<semaphore_mem>>)
      %dma_wait3A_142 = arith.constant 1 : i32
      %dma_wait3A_143 = arith.constant 0 : i32
      %dma_wait3A_144 = arith.constant 0 : i32
      %dma_wait3A_145 = tpu.memref_slice %arg6[%scan3A_52, %dma_wait3A_143, %dma_wait3A_144] : memref<2x160x125xi32, #tpu.memory_space<vmem>> -> memref<1x160x125xi32, #tpu.memory_space<vmem>>
      %dma_wait3A_146 = tpu.memref_squeeze %dma_wait3A_145 : memref<1x160x125xi32, #tpu.memory_space<vmem>> -> memref<160x125xi32, #tpu.memory_space<vmem>>
      %dma_wait3A_147 = arith.constant 0 : i32
      %dma_wait3A_148 = tpu.memref_slice %dma_wait3A_146[%dma_wait3A_142, %dma_wait3A_147] : memref<160x125xi32, #tpu.memory_space<vmem>> -> memref<1x125xi32, #tpu.memory_space<vmem>>
      %dma_wait3A_149 = tpu.memref_squeeze %dma_wait3A_148 : memref<1x125xi32, #tpu.memory_space<vmem>> -> memref<125xi32, #tpu.memory_space<vmem>>
      %dma_wait3A_150 = arith.constant 0 : i32
      %dma_wait3A_151 = arith.constant 0 : i32
      %dma_wait3A_152 = tpu.memref_slice %arg2[%dma_wait3A_150, %dma_wait3A_151] : memref<180000x64xf32, #tpu.memory_space<hbm>> -> memref<180000x64xf32, #tpu.memory_space<hbm>>
      tpu.wait_indirect_dma semaphore(%arg13 : memref<!tpu.dma_semaphore, #tpu.memory_space<semaphore_mem>>) src(%dma_wait3A_152 : memref<180000x64xf32, #tpu.memory_space<hbm>>) dst(%arg8 : memref<125x64xf32, #tpu.memory_space<vmem>>)
      %add3A_153 = arith.constant 1 : i32
      %add3A_154 = arith.addi %mul3A_113, %add3A_153 : i32
      "tpu.region"() ({
        %run_scoped3A = tpu.sem_alloc : memref<!tpu.dma_semaphore, #tpu.memory_space<semaphore_mem>>
        %dma_start3A_217 = arith.constant 0 : i32
        %dma_start3A_218 = arith.constant 0 : i32
        %dma_start3A_219 = tpu.memref_slice %arg6[%scan3A_53, %dma_start3A_217, %dma_start3A_218] : memref<2x160x125xi32, #tpu.memory_space<vmem>> -> memref<1x160x125xi32, #tpu.memory_space<vmem>>
        %dma_start3A_220 = tpu.memref_squeeze %dma_start3A_219 : memref<1x160x125xi32, #tpu.memory_space<vmem>> -> memref<160x125xi32, #tpu.memory_space<vmem>>
        %dma_start3A_221 = arith.constant 0 : i32
        %dma_start3A_222 = tpu.memref_slice %dma_start3A_220[%add3A_154, %dma_start3A_221] : memref<160x125xi32, #tpu.memory_space<vmem>> -> memref<1x125xi32, #tpu.memory_space<vmem>>
        %dma_start3A_223 = tpu.memref_squeeze %dma_start3A_222 : memref<1x125xi32, #tpu.memory_space<vmem>> -> memref<125xi32, #tpu.memory_space<vmem>>
        %dma_start3A_224 = arith.constant 0 : i32
        %dma_start3A_225 = arith.constant 0 : i32
        %dma_start3A_226 = tpu.memref_slice %arg11[%dma_start3A_224, %dma_start3A_225] : memref<10240x64xf32, #tpu.memory_space<vmem_shared>> -> memref<10240x64xf32, #tpu.memory_space<vmem_shared>>
        tpu.enqueue_indirect_dma source(%arg8 : memref<125x64xf32, #tpu.memory_space<vmem>>) target(%dma_start3A_226 : memref<10240x64xf32, #tpu.memory_space<vmem_shared>>) offsets(%dma_start3A_223 : memref<125xi32, #tpu.memory_space<vmem>>) semaphore(%run_scoped3A : memref<!tpu.dma_semaphore, #tpu.memory_space<semaphore_mem>>) {add = true}
        %dma_wait3A_227 = arith.constant 0 : i32
        %dma_wait3A_228 = arith.constant 0 : i32
        %dma_wait3A_229 = tpu.memref_slice %arg6[%scan3A_53, %dma_wait3A_227, %dma_wait3A_228] : memref<2x160x125xi32, #tpu.memory_space<vmem>> -> memref<1x160x125xi32, #tpu.memory_space<vmem>>
        %dma_wait3A_230 = tpu.memref_squeeze %dma_wait3A_229 : memref<1x160x125xi32, #tpu.memory_space<vmem>> -> memref<160x125xi32, #tpu.memory_space<vmem>>
        %dma_wait3A_231 = arith.constant 0 : i32
        %dma_wait3A_232 = tpu.memref_slice %dma_wait3A_230[%add3A_154, %dma_wait3A_231] : memref<160x125xi32, #tpu.memory_space<vmem>> -> memref<1x125xi32, #tpu.memory_space<vmem>>
        %dma_wait3A_233 = tpu.memref_squeeze %dma_wait3A_232 : memref<1x125xi32, #tpu.memory_space<vmem>> -> memref<125xi32, #tpu.memory_space<vmem>>
        %dma_wait3A_234 = arith.constant 0 : i32
        %dma_wait3A_235 = arith.constant 0 : i32
        %dma_wait3A_236 = tpu.memref_slice %arg11[%dma_wait3A_234, %dma_wait3A_235] : memref<10240x64xf32, #tpu.memory_space<vmem_shared>> -> memref<10240x64xf32, #tpu.memory_space<vmem_shared>>
        tpu.wait_indirect_dma semaphore(%run_scoped3A : memref<!tpu.dma_semaphore, #tpu.memory_space<semaphore_mem>>) src(%arg8 : memref<125x64xf32, #tpu.memory_space<vmem>>) dst(%dma_wait3A_236 : memref<10240x64xf32, #tpu.memory_space<vmem_shared>>)
        tpu.yield
      }) : () -> ()
      %dma_start3A_155 = arith.constant 0 : i32
      %dma_start3A_156 = arith.constant 0 : i32
      %dma_start3A_157 = tpu.memref_slice %arg6[%scan3A_52, %dma_start3A_155, %dma_start3A_156] : memref<2x160x125xi32, #tpu.memory_space<vmem>> -> memref<1x160x125xi32, #tpu.memory_space<vmem>>
      %dma_start3A_158 = tpu.memref_squeeze %dma_start3A_157 : memref<1x160x125xi32, #tpu.memory_space<vmem>> -> memref<160x125xi32, #tpu.memory_space<vmem>>
      %dma_start3A_159 = arith.constant 0 : i32
      %dma_start3A_160 = tpu.memref_slice %dma_start3A_158[%rem3A_120, %dma_start3A_159] : memref<160x125xi32, #tpu.memory_space<vmem>> -> memref<1x125xi32, #tpu.memory_space<vmem>>
      %dma_start3A_161 = tpu.memref_squeeze %dma_start3A_160 : memref<1x125xi32, #tpu.memory_space<vmem>> -> memref<125xi32, #tpu.memory_space<vmem>>
      %dma_start3A_162 = arith.constant 0 : i32
      %dma_start3A_163 = arith.constant 0 : i32
      %dma_start3A_164 = tpu.memref_slice %arg2[%dma_start3A_162, %dma_start3A_163] : memref<180000x64xf32, #tpu.memory_space<hbm>> -> memref<180000x64xf32, #tpu.memory_space<hbm>>
      tpu.enqueue_indirect_dma source(%dma_start3A_164 : memref<180000x64xf32, #tpu.memory_space<hbm>>) target(%arg8 : memref<125x64xf32, #tpu.memory_space<vmem>>) offsets(%dma_start3A_161 : memref<125xi32, #tpu.memory_space<vmem>>) semaphore(%arg13 : memref<!tpu.dma_semaphore, #tpu.memory_space<semaphore_mem>>)
      %dma_wait3A_165 = arith.constant 0 : i32
      %dma_wait3A_166 = arith.constant 0 : i32
      %dma_wait3A_167 = arith.constant 0 : i32
      %dma_wait3A_168 = tpu.memref_slice %arg6[%scan3A_52, %dma_wait3A_166, %dma_wait3A_167] : memref<2x160x125xi32, #tpu.memory_space<vmem>> -> memref<1x160x125xi32, #tpu.memory_space<vmem>>
      %dma_wait3A_169 = tpu.memref_squeeze %dma_wait3A_168 : memref<1x160x125xi32, #tpu.memory_space<vmem>> -> memref<160x125xi32, #tpu.memory_space<vmem>>
      %dma_wait3A_170 = arith.constant 0 : i32
      %dma_wait3A_171 = tpu.memref_slice %dma_wait3A_169[%dma_wait3A_165, %dma_wait3A_170] : memref<160x125xi32, #tpu.memory_space<vmem>> -> memref<1x125xi32, #tpu.memory_space<vmem>>
      %dma_wait3A_172 = tpu.memref_squeeze %dma_wait3A_171 : memref<1x125xi32, #tpu.memory_space<vmem>> -> memref<125xi32, #tpu.memory_space<vmem>>
      %dma_wait3A_173 = arith.constant 0 : i32
      %dma_wait3A_174 = arith.constant 0 : i32
      %dma_wait3A_175 = tpu.memref_slice %arg2[%dma_wait3A_173, %dma_wait3A_174] : memref<180000x64xf32, #tpu.memory_space<hbm>> -> memref<180000x64xf32, #tpu.memory_space<hbm>>
      tpu.wait_indirect_dma semaphore(%arg14 : memref<!tpu.dma_semaphore, #tpu.memory_space<semaphore_mem>>) src(%dma_wait3A_175 : memref<180000x64xf32, #tpu.memory_space<hbm>>) dst(%arg9 : memref<125x64xf32, #tpu.memory_space<vmem>>)
      %add3A_176 = arith.constant 80 : i32
      %add3A_177 = arith.addi %add3A_176, %mul3A_113 : i32
      "tpu.region"() ({
        %run_scoped3A = tpu.sem_alloc : memref<!tpu.dma_semaphore, #tpu.memory_space<semaphore_mem>>
        %dma_start3A_217 = arith.constant 0 : i32
        %dma_start3A_218 = arith.constant 0 : i32
        %dma_start3A_219 = tpu.memref_slice %arg6[%scan3A_53, %dma_start3A_217, %dma_start3A_218] : memref<2x160x125xi32, #tpu.memory_space<vmem>> -> memref<1x160x125xi32, #tpu.memory_space<vmem>>
        %dma_start3A_220 = tpu.memref_squeeze %dma_start3A_219 : memref<1x160x125xi32, #tpu.memory_space<vmem>> -> memref<160x125xi32, #tpu.memory_space<vmem>>
        %dma_start3A_221 = arith.constant 0 : i32
        %dma_start3A_222 = tpu.memref_slice %dma_start3A_220[%add3A_177, %dma_start3A_221] : memref<160x125xi32, #tpu.memory_space<vmem>> -> memref<1x125xi32, #tpu.memory_space<vmem>>
        %dma_start3A_223 = tpu.memref_squeeze %dma_start3A_222 : memref<1x125xi32, #tpu.memory_space<vmem>> -> memref<125xi32, #tpu.memory_space<vmem>>
        %dma_start3A_224 = arith.constant 0 : i32
        %dma_start3A_225 = arith.constant 0 : i32
        %dma_start3A_226 = tpu.memref_slice %arg11[%dma_start3A_224, %dma_start3A_225] : memref<10240x64xf32, #tpu.memory_space<vmem_shared>> -> memref<10240x64xf32, #tpu.memory_space<vmem_shared>>
        tpu.enqueue_indirect_dma source(%arg9 : memref<125x64xf32, #tpu.memory_space<vmem>>) target(%dma_start3A_226 : memref<10240x64xf32, #tpu.memory_space<vmem_shared>>) offsets(%dma_start3A_223 : memref<125xi32, #tpu.memory_space<vmem>>) semaphore(%run_scoped3A : memref<!tpu.dma_semaphore, #tpu.memory_space<semaphore_mem>>) {add = true}
        %dma_wait3A_227 = arith.constant 0 : i32
        %dma_wait3A_228 = arith.constant 0 : i32
        %dma_wait3A_229 = tpu.memref_slice %arg6[%scan3A_53, %dma_wait3A_227, %dma_wait3A_228] : memref<2x160x125xi32, #tpu.memory_space<vmem>> -> memref<1x160x125xi32, #tpu.memory_space<vmem>>
        %dma_wait3A_230 = tpu.memref_squeeze %dma_wait3A_229 : memref<1x160x125xi32, #tpu.memory_space<vmem>> -> memref<160x125xi32, #tpu.memory_space<vmem>>
        %dma_wait3A_231 = arith.constant 0 : i32
        %dma_wait3A_232 = tpu.memref_slice %dma_wait3A_230[%add3A_177, %dma_wait3A_231] : memref<160x125xi32, #tpu.memory_space<vmem>> -> memref<1x125xi32, #tpu.memory_space<vmem>>
        %dma_wait3A_233 = tpu.memref_squeeze %dma_wait3A_232 : memref<1x125xi32, #tpu.memory_space<vmem>> -> memref<125xi32, #tpu.memory_space<vmem>>
        %dma_wait3A_234 = arith.constant 0 : i32
        %dma_wait3A_235 = arith.constant 0 : i32
        %dma_wait3A_236 = tpu.memref_slice %arg11[%dma_wait3A_234, %dma_wait3A_235] : memref<10240x64xf32, #tpu.memory_space<vmem_shared>> -> memref<10240x64xf32, #tpu.memory_space<vmem_shared>>
        tpu.wait_indirect_dma semaphore(%run_scoped3A : memref<!tpu.dma_semaphore, #tpu.memory_space<semaphore_mem>>) src(%arg9 : memref<125x64xf32, #tpu.memory_space<vmem>>) dst(%dma_wait3A_236 : memref<10240x64xf32, #tpu.memory_space<vmem_shared>>)
        tpu.yield
      }) : () -> ()
      %add3A_178 = arith.constant 80 : i32
      %add3A_179 = arith.addi %add3A_178, %rem3A_116 : i32
      %dma_start3A_180 = arith.constant 0 : i32
      %dma_start3A_181 = arith.constant 0 : i32
      %dma_start3A_182 = tpu.memref_slice %arg6[%scan3A_52, %dma_start3A_180, %dma_start3A_181] : memref<2x160x125xi32, #tpu.memory_space<vmem>> -> memref<1x160x125xi32, #tpu.memory_space<vmem>>
      %dma_start3A_183 = tpu.memref_squeeze %dma_start3A_182 : memref<1x160x125xi32, #tpu.memory_space<vmem>> -> memref<160x125xi32, #tpu.memory_space<vmem>>
      %dma_start3A_184 = arith.constant 0 : i32
      %dma_start3A_185 = tpu.memref_slice %dma_start3A_183[%add3A_179, %dma_start3A_184] : memref<160x125xi32, #tpu.memory_space<vmem>> -> memref<1x125xi32, #tpu.memory_space<vmem>>
      %dma_start3A_186 = tpu.memref_squeeze %dma_start3A_185 : memref<1x125xi32, #tpu.memory_space<vmem>> -> memref<125xi32, #tpu.memory_space<vmem>>
      %dma_start3A_187 = arith.constant 0 : i32
      %dma_start3A_188 = arith.constant 0 : i32
      %dma_start3A_189 = tpu.memref_slice %arg2[%dma_start3A_187, %dma_start3A_188] : memref<180000x64xf32, #tpu.memory_space<hbm>> -> memref<180000x64xf32, #tpu.memory_space<hbm>>
      tpu.enqueue_indirect_dma source(%dma_start3A_189 : memref<180000x64xf32, #tpu.memory_space<hbm>>) target(%arg9 : memref<125x64xf32, #tpu.memory_space<vmem>>) offsets(%dma_start3A_186 : memref<125xi32, #tpu.memory_space<vmem>>) semaphore(%arg14 : memref<!tpu.dma_semaphore, #tpu.memory_space<semaphore_mem>>)
      %dma_wait3A_190 = arith.constant 1 : i32
      %dma_wait3A_191 = arith.constant 0 : i32
      %dma_wait3A_192 = arith.constant 0 : i32
      %dma_wait3A_193 = tpu.memref_slice %arg6[%scan3A_52, %dma_wait3A_191, %dma_wait3A_192] : memref<2x160x125xi32, #tpu.memory_space<vmem>> -> memref<1x160x125xi32, #tpu.memory_space<vmem>>
      %dma_wait3A_194 = tpu.memref_squeeze %dma_wait3A_193 : memref<1x160x125xi32, #tpu.memory_space<vmem>> -> memref<160x125xi32, #tpu.memory_space<vmem>>
      %dma_wait3A_195 = arith.constant 0 : i32
      %dma_wait3A_196 = tpu.memref_slice %dma_wait3A_194[%dma_wait3A_190, %dma_wait3A_195] : memref<160x125xi32, #tpu.memory_space<vmem>> -> memref<1x125xi32, #tpu.memory_space<vmem>>
      %dma_wait3A_197 = tpu.memref_squeeze %dma_wait3A_196 : memref<1x125xi32, #tpu.memory_space<vmem>> -> memref<125xi32, #tpu.memory_space<vmem>>
      %dma_wait3A_198 = arith.constant 0 : i32
      %dma_wait3A_199 = arith.constant 0 : i32
      %dma_wait3A_200 = tpu.memref_slice %arg2[%dma_wait3A_198, %dma_wait3A_199] : memref<180000x64xf32, #tpu.memory_space<hbm>> -> memref<180000x64xf32, #tpu.memory_space<hbm>>
      tpu.wait_indirect_dma semaphore(%arg15 : memref<!tpu.dma_semaphore, #tpu.memory_space<semaphore_mem>>) src(%dma_wait3A_200 : memref<180000x64xf32, #tpu.memory_space<hbm>>) dst(%arg10 : memref<125x64xf32, #tpu.memory_space<vmem>>)
      %add3A_201 = arith.constant 80 : i32
      %add3A_202 = arith.addi %add3A_201, %mul3A_113 : i32
      %add3A_203 = arith.constant 1 : i32
      %add3A_204 = arith.addi %add3A_202, %add3A_203 : i32
      "tpu.region"() ({
        %run_scoped3A = tpu.sem_alloc : memref<!tpu.dma_semaphore, #tpu.memory_space<semaphore_mem>>
        %dma_start3A_217 = arith.constant 0 : i32
        %dma_start3A_218 = arith.constant 0 : i32
        %dma_start3A_219 = tpu.memref_slice %arg6[%scan3A_53, %dma_start3A_217, %dma_start3A_218] : memref<2x160x125xi32, #tpu.memory_space<vmem>> -> memref<1x160x125xi32, #tpu.memory_space<vmem>>
        %dma_start3A_220 = tpu.memref_squeeze %dma_start3A_219 : memref<1x160x125xi32, #tpu.memory_space<vmem>> -> memref<160x125xi32, #tpu.memory_space<vmem>>
        %dma_start3A_221 = arith.constant 0 : i32
        %dma_start3A_222 = tpu.memref_slice %dma_start3A_220[%add3A_204, %dma_start3A_221] : memref<160x125xi32, #tpu.memory_space<vmem>> -> memref<1x125xi32, #tpu.memory_space<vmem>>
        %dma_start3A_223 = tpu.memref_squeeze %dma_start3A_222 : memref<1x125xi32, #tpu.memory_space<vmem>> -> memref<125xi32, #tpu.memory_space<vmem>>
        %dma_start3A_224 = arith.constant 0 : i32
        %dma_start3A_225 = arith.constant 0 : i32
        %dma_start3A_226 = tpu.memref_slice %arg11[%dma_start3A_224, %dma_start3A_225] : memref<10240x64xf32, #tpu.memory_space<vmem_shared>> -> memref<10240x64xf32, #tpu.memory_space<vmem_shared>>
        tpu.enqueue_indirect_dma source(%arg10 : memref<125x64xf32, #tpu.memory_space<vmem>>) target(%dma_start3A_226 : memref<10240x64xf32, #tpu.memory_space<vmem_shared>>) offsets(%dma_start3A_223 : memref<125xi32, #tpu.memory_space<vmem>>) semaphore(%run_scoped3A : memref<!tpu.dma_semaphore, #tpu.memory_space<semaphore_mem>>) {add = true}
        %dma_wait3A_227 = arith.constant 0 : i32
        %dma_wait3A_228 = arith.constant 0 : i32
        %dma_wait3A_229 = tpu.memref_slice %arg6[%scan3A_53, %dma_wait3A_227, %dma_wait3A_228] : memref<2x160x125xi32, #tpu.memory_space<vmem>> -> memref<1x160x125xi32, #tpu.memory_space<vmem>>
        %dma_wait3A_230 = tpu.memref_squeeze %dma_wait3A_229 : memref<1x160x125xi32, #tpu.memory_space<vmem>> -> memref<160x125xi32, #tpu.memory_space<vmem>>
        %dma_wait3A_231 = arith.constant 0 : i32
        %dma_wait3A_232 = tpu.memref_slice %dma_wait3A_230[%add3A_204, %dma_wait3A_231] : memref<160x125xi32, #tpu.memory_space<vmem>> -> memref<1x125xi32, #tpu.memory_space<vmem>>
        %dma_wait3A_233 = tpu.memref_squeeze %dma_wait3A_232 : memref<1x125xi32, #tpu.memory_space<vmem>> -> memref<125xi32, #tpu.memory_space<vmem>>
        %dma_wait3A_234 = arith.constant 0 : i32
        %dma_wait3A_235 = arith.constant 0 : i32
        %dma_wait3A_236 = tpu.memref_slice %arg11[%dma_wait3A_234, %dma_wait3A_235] : memref<10240x64xf32, #tpu.memory_space<vmem_shared>> -> memref<10240x64xf32, #tpu.memory_space<vmem_shared>>
        tpu.wait_indirect_dma semaphore(%run_scoped3A : memref<!tpu.dma_semaphore, #tpu.memory_space<semaphore_mem>>) src(%arg10 : memref<125x64xf32, #tpu.memory_space<vmem>>) dst(%dma_wait3A_236 : memref<10240x64xf32, #tpu.memory_space<vmem_shared>>)
        tpu.yield
      }) : () -> ()
      %add3A_205 = arith.constant 80 : i32
      %add3A_206 = arith.addi %add3A_205, %rem3A_120 : i32
      %dma_start3A_207 = arith.constant 0 : i32
      %dma_start3A_208 = arith.constant 0 : i32
      %dma_start3A_209 = tpu.memref_slice %arg6[%scan3A_52, %dma_start3A_207, %dma_start3A_208] : memref<2x160x125xi32, #tpu.memory_space<vmem>> -> memref<1x160x125xi32, #tpu.memory_space<vmem>>
      %dma_start3A_210 = tpu.memref_squeeze %dma_start3A_209 : memref<1x160x125xi32, #tpu.memory_space<vmem>> -> memref<160x125xi32, #tpu.memory_space<vmem>>
      %dma_start3A_211 = arith.constant 0 : i32
      %dma_start3A_212 = tpu.memref_slice %dma_start3A_210[%add3A_206, %dma_start3A_211] : memref<160x125xi32, #tpu.memory_space<vmem>> -> memref<1x125xi32, #tpu.memory_space<vmem>>
      %dma_start3A_213 = tpu.memref_squeeze %dma_start3A_212 : memref<1x125xi32, #tpu.memory_space<vmem>> -> memref<125xi32, #tpu.memory_space<vmem>>
      %dma_start3A_214 = arith.constant 0 : i32
      %dma_start3A_215 = arith.constant 0 : i32
      %dma_start3A_216 = tpu.memref_slice %arg2[%dma_start3A_214, %dma_start3A_215] : memref<180000x64xf32, #tpu.memory_space<hbm>> -> memref<180000x64xf32, #tpu.memory_space<hbm>>
      tpu.enqueue_indirect_dma source(%dma_start3A_216 : memref<180000x64xf32, #tpu.memory_space<hbm>>) target(%arg10 : memref<125x64xf32, #tpu.memory_space<vmem>>) offsets(%dma_start3A_213 : memref<125xi32, #tpu.memory_space<vmem>>) semaphore(%arg15 : memref<!tpu.dma_semaphore, #tpu.memory_space<semaphore_mem>>)
    }
    %scan3A_58 = arith.constant 40 : i32
    %dma_wait3A = arith.constant 0 : i32
    %dma_wait3A_59 = arith.constant 0 : i32
    %dma_wait3A_60 = arith.constant 0 : i32
    %dma_wait3A_61 = arith.constant 0 : i32
    %dma_wait3A_62 = tpu.memref_slice %arg6[%dma_wait3A, %dma_wait3A_60, %dma_wait3A_61] : memref<2x160x125xi32, #tpu.memory_space<vmem>> -> memref<1x160x125xi32, #tpu.memory_space<vmem>>
    %dma_wait3A_63 = tpu.memref_squeeze %dma_wait3A_62 : memref<1x160x125xi32, #tpu.memory_space<vmem>> -> memref<160x125xi32, #tpu.memory_space<vmem>>
    %dma_wait3A_64 = arith.constant 0 : i32
    %dma_wait3A_65 = tpu.memref_slice %dma_wait3A_63[%dma_wait3A_59, %dma_wait3A_64] : memref<160x125xi32, #tpu.memory_space<vmem>> -> memref<1x125xi32, #tpu.memory_space<vmem>>
    %dma_wait3A_66 = tpu.memref_squeeze %dma_wait3A_65 : memref<1x125xi32, #tpu.memory_space<vmem>> -> memref<125xi32, #tpu.memory_space<vmem>>
    %dma_wait3A_67 = arith.constant 0 : i32
    %dma_wait3A_68 = arith.constant 0 : i32
    %dma_wait3A_69 = tpu.memref_slice %arg2[%dma_wait3A_67, %dma_wait3A_68] : memref<180000x64xf32, #tpu.memory_space<hbm>> -> memref<180000x64xf32, #tpu.memory_space<hbm>>
    tpu.wait_indirect_dma semaphore(%arg12 : memref<!tpu.dma_semaphore, #tpu.memory_space<semaphore_mem>>) src(%dma_wait3A_69 : memref<180000x64xf32, #tpu.memory_space<hbm>>) dst(%arg7 : memref<125x64xf32, #tpu.memory_space<vmem>>)
    %dma_wait3A_70 = arith.constant 0 : i32
    %dma_wait3A_71 = arith.constant 1 : i32
    %dma_wait3A_72 = arith.constant 0 : i32
    %dma_wait3A_73 = arith.constant 0 : i32
    %dma_wait3A_74 = tpu.memref_slice %arg6[%dma_wait3A_70, %dma_wait3A_72, %dma_wait3A_73] : memref<2x160x125xi32, #tpu.memory_space<vmem>> -> memref<1x160x125xi32, #tpu.memory_space<vmem>>
    %dma_wait3A_75 = tpu.memref_squeeze %dma_wait3A_74 : memref<1x160x125xi32, #tpu.memory_space<vmem>> -> memref<160x125xi32, #tpu.memory_space<vmem>>
    %dma_wait3A_76 = arith.constant 0 : i32
    %dma_wait3A_77 = tpu.memref_slice %dma_wait3A_75[%dma_wait3A_71, %dma_wait3A_76] : memref<160x125xi32, #tpu.memory_space<vmem>> -> memref<1x125xi32, #tpu.memory_space<vmem>>
    %dma_wait3A_78 = tpu.memref_squeeze %dma_wait3A_77 : memref<1x125xi32, #tpu.memory_space<vmem>> -> memref<125xi32, #tpu.memory_space<vmem>>
    %dma_wait3A_79 = arith.constant 0 : i32
    %dma_wait3A_80 = arith.constant 0 : i32
    %dma_wait3A_81 = tpu.memref_slice %arg2[%dma_wait3A_79, %dma_wait3A_80] : memref<180000x64xf32, #tpu.memory_space<hbm>> -> memref<180000x64xf32, #tpu.memory_space<hbm>>
    tpu.wait_indirect_dma semaphore(%arg13 : memref<!tpu.dma_semaphore, #tpu.memory_space<semaphore_mem>>) src(%dma_wait3A_81 : memref<180000x64xf32, #tpu.memory_space<hbm>>) dst(%arg8 : memref<125x64xf32, #tpu.memory_space<vmem>>)
    %dma_wait3A_82 = arith.constant 0 : i32
    %dma_wait3A_83 = arith.constant 0 : i32
    %dma_wait3A_84 = arith.constant 0 : i32
    %dma_wait3A_85 = arith.constant 0 : i32
    %dma_wait3A_86 = tpu.memref_slice %arg6[%dma_wait3A_82, %dma_wait3A_84, %dma_wait3A_85] : memref<2x160x125xi32, #tpu.memory_space<vmem>> -> memref<1x160x125xi32, #tpu.memory_space<vmem>>
    %dma_wait3A_87 = tpu.memref_squeeze %dma_wait3A_86 : memref<1x160x125xi32, #tpu.memory_space<vmem>> -> memref<160x125xi32, #tpu.memory_space<vmem>>
    %dma_wait3A_88 = arith.constant 0 : i32
    %dma_wait3A_89 = tpu.memref_slice %dma_wait3A_87[%dma_wait3A_83, %dma_wait3A_88] : memref<160x125xi32, #tpu.memory_space<vmem>> -> memref<1x125xi32, #tpu.memory_space<vmem>>
    %dma_wait3A_90 = tpu.memref_squeeze %dma_wait3A_89 : memref<1x125xi32, #tpu.memory_space<vmem>> -> memref<125xi32, #tpu.memory_space<vmem>>
    %dma_wait3A_91 = arith.constant 0 : i32
    %dma_wait3A_92 = arith.constant 0 : i32
    %dma_wait3A_93 = tpu.memref_slice %arg2[%dma_wait3A_91, %dma_wait3A_92] : memref<180000x64xf32, #tpu.memory_space<hbm>> -> memref<180000x64xf32, #tpu.memory_space<hbm>>
    tpu.wait_indirect_dma semaphore(%arg14 : memref<!tpu.dma_semaphore, #tpu.memory_space<semaphore_mem>>) src(%dma_wait3A_93 : memref<180000x64xf32, #tpu.memory_space<hbm>>) dst(%arg9 : memref<125x64xf32, #tpu.memory_space<vmem>>)
    %dma_wait3A_94 = arith.constant 0 : i32
    %dma_wait3A_95 = arith.constant 1 : i32
    %dma_wait3A_96 = arith.constant 0 : i32
    %dma_wait3A_97 = arith.constant 0 : i32
    %dma_wait3A_98 = tpu.memref_slice %arg6[%dma_wait3A_94, %dma_wait3A_96, %dma_wait3A_97] : memref<2x160x125xi32, #tpu.memory_space<vmem>> -> memref<1x160x125xi32, #tpu.memory_space<vmem>>
    %dma_wait3A_99 = tpu.memref_squeeze %dma_wait3A_98 : memref<1x160x125xi32, #tpu.memory_space<vmem>> -> memref<160x125xi32, #tpu.memory_space<vmem>>
    %dma_wait3A_100 = arith.constant 0 : i32
    %dma_wait3A_101 = tpu.memref_slice %dma_wait3A_99[%dma_wait3A_95, %dma_wait3A_100] : memref<160x125xi32, #tpu.memory_space<vmem>> -> memref<1x125xi32, #tpu.memory_space<vmem>>
    %dma_wait3A_102 = tpu.memref_squeeze %dma_wait3A_101 : memref<1x125xi32, #tpu.memory_space<vmem>> -> memref<125xi32, #tpu.memory_space<vmem>>
    %dma_wait3A_103 = arith.constant 0 : i32
    %dma_wait3A_104 = arith.constant 0 : i32
    %dma_wait3A_105 = tpu.memref_slice %arg2[%dma_wait3A_103, %dma_wait3A_104] : memref<180000x64xf32, #tpu.memory_space<hbm>> -> memref<180000x64xf32, #tpu.memory_space<hbm>>
    tpu.wait_indirect_dma semaphore(%arg15 : memref<!tpu.dma_semaphore, #tpu.memory_space<semaphore_mem>>) src(%dma_wait3A_105 : memref<180000x64xf32, #tpu.memory_space<hbm>>) dst(%arg10 : memref<125x64xf32, #tpu.memory_space<vmem>>)
    %barrier3A_106 = arith.constant 0 : index
    tpu.barrier barrier_id(%barrier3A_106)
    %mul3A_107 = arith.constant 640 : i32
    %mul3A_108 = arith.muli %arg1, %mul3A_107 : i32
    %mul3A_109 = arith.constant 640 : i32
    %mul3A_110 = arith.muli %arg1, %mul3A_109 : i32
    "tpu.region"() ({
      %run_scoped3A = tpu.sem_alloc : memref<!tpu.dma_semaphore, #tpu.memory_space<semaphore_mem>>
      %dma_start3A_111 = arith.constant 0 : i32
      %dma_start3A_112 = tpu.memref_slice %arg5[%arg0, %mul3A_110, %dma_start3A_111] : memref<2x10240x64xf32, #tpu.memory_space<hbm>> -> memref<1x640x64xf32, #tpu.memory_space<hbm>>
      %dma_start3A_113 = tpu.memref_squeeze %dma_start3A_112 : memref<1x640x64xf32, #tpu.memory_space<hbm>> -> memref<640x64xf32, #tpu.memory_space<hbm>>
      %dma_start3A_114 = arith.constant 0 : i32
      %dma_start3A_115 = tpu.memref_slice %arg11[%mul3A_108, %dma_start3A_114] : memref<10240x64xf32, #tpu.memory_space<vmem_shared>> -> memref<640x64xf32, #tpu.memory_space<vmem_shared>>
      tpu.enqueue_dma source(%dma_start3A_115 : memref<640x64xf32, #tpu.memory_space<vmem_shared>>) target(%dma_start3A_113 : memref<640x64xf32, #tpu.memory_space<hbm>>) target_semaphore(%run_scoped3A : memref<!tpu.dma_semaphore, #tpu.memory_space<semaphore_mem>>)
      %dma_wait3A_116 = arith.constant 0 : i32
      %dma_wait3A_117 = tpu.memref_slice %arg5[%arg0, %mul3A_110, %dma_wait3A_116] : memref<2x10240x64xf32, #tpu.memory_space<hbm>> -> memref<1x640x64xf32, #tpu.memory_space<hbm>>
      %dma_wait3A_118 = tpu.memref_squeeze %dma_wait3A_117 : memref<1x640x64xf32, #tpu.memory_space<hbm>> -> memref<640x64xf32, #tpu.memory_space<hbm>>
      %dma_wait3A_119 = arith.constant 0 : i32
      %dma_wait3A_120 = tpu.memref_slice %arg11[%mul3A_108, %dma_wait3A_119] : memref<10240x64xf32, #tpu.memory_space<vmem_shared>> -> memref<640x64xf32, #tpu.memory_space<vmem_shared>>
      tpu.wait_dma2 semaphore(%run_scoped3A : memref<!tpu.dma_semaphore, #tpu.memory_space<semaphore_mem>>) src(%dma_wait3A_120 : memref<640x64xf32, #tpu.memory_space<vmem_shared>>) dst(%dma_wait3A_118 : memref<640x64xf32, #tpu.memory_space<hbm>>)
      tpu.yield
    }) : () -> ()
    return
  }
}

module attributes {stable_mosaic.version = 14 : i64} {
  func.func @_mm_body(%arg0: i32, %arg1: memref<1000x128xf32, #tpu.memory_space<vmem>>, %arg2: memref<9x128x128xf32, #tpu.memory_space<vmem>>, %arg3: memref<9x1000x128xf32, #tpu.memory_space<vmem>>) attributes {dimension_semantics = [#tpu.dimension_semantics<arbitrary>], iteration_bounds = array<i64: 10>, scalar_prefetch = 0 : i64, scratch_operands = 0 : i64, tpu.core_type = #tpu.core_type<tc>, window_params = [{transform_indices = @transform_0, window_bounds = array<i64: 1000, 128>}, {pipeline_mode = #tpu.pipeline_mode<synchronous>, transform_indices = @transform_1, window_bounds = array<i64: 9, 128, 128>}, {transform_indices = @transform_2, window_bounds = array<i64: 9, 1000, 128>}]} {
    %get3A = arith.constant 0 : index
    %get3A_0 = arith.constant 0 : index
    %get3A_1 = vector.load %arg1[%get3A, %get3A_0] : memref<1000x128xf32, #tpu.memory_space<vmem>>, vector<1000x128xf32>
    %convert_element_type3A = arith.truncf %get3A_1 : vector<1000x128xf32> to vector<1000x128xbf16>
    %get3A_2 = arith.constant 0 : index
    %get3A_3 = arith.constant 0 : index
    %get3A_4 = arith.constant 0 : index
    %get3A_5 = vector.load %arg2[%get3A_2, %get3A_3, %get3A_4] : memref<9x128x128xf32, #tpu.memory_space<vmem>>, vector<1x128x128xf32>
    %get3A_6 = vector.shape_cast %get3A_5 : vector<1x128x128xf32> to vector<128x128xf32>
    %convert_element_type3A_7 = arith.truncf %get3A_6 : vector<128x128xf32> to vector<128x128xbf16>
    %dot_general3A = arith.constant dense<0.000000e+00> : vector<1000x128xf32>
    %dot_general3A_8 = tpu.matmul %convert_element_type3A, %convert_element_type3A_7, %dot_general3A {dimension_numbers = #tpu.dot_dimension_numbers<[1], [0], [0], [1], [0, 0, 1, 1], [], []>, transpose_lhs_hint = false} : vector<1000x128xbf16>, vector<128x128xbf16>, vector<1000x128xf32> -> vector<1000x128xf32>
    %swap3A = arith.constant 0 : index
    %swap3A_9 = arith.constant 0 : index
    %swap3A_10 = arith.constant 0 : index
    %swap3A_11 = vector.load %arg3[%swap3A, %swap3A_9, %swap3A_10] : memref<9x1000x128xf32, #tpu.memory_space<vmem>>, vector<1x1000x128xf32>
    %swap3A_12 = vector.shape_cast %swap3A_11 : vector<1x1000x128xf32> to vector<1000x128xf32>
    %swap3A_13 = vector.shape_cast %dot_general3A_8 : vector<1000x128xf32> to vector<1x1000x128xf32>
    tpu.vector_store %arg3[%swap3A, %swap3A_9, %swap3A_10], %swap3A_13 {strides = array<i32>} : memref<9x1000x128xf32, #tpu.memory_space<vmem>>, vector<1x1000x128xf32>,
    %get3A_14 = arith.constant 1 : index
    %get3A_15 = arith.constant 0 : index
    %get3A_16 = arith.constant 0 : index
    %get3A_17 = vector.load %arg2[%get3A_14, %get3A_15, %get3A_16] : memref<9x128x128xf32, #tpu.memory_space<vmem>>, vector<1x128x128xf32>
    %get3A_18 = vector.shape_cast %get3A_17 : vector<1x128x128xf32> to vector<128x128xf32>
    %convert_element_type3A_19 = arith.truncf %get3A_18 : vector<128x128xf32> to vector<128x128xbf16>
    %dot_general3A_20 = arith.constant dense<0.000000e+00> : vector<1000x128xf32>
    %dot_general3A_21 = tpu.matmul %convert_element_type3A, %convert_element_type3A_19, %dot_general3A_20 {dimension_numbers = #tpu.dot_dimension_numbers<[1], [0], [0], [1], [0, 0, 1, 1], [], []>, transpose_lhs_hint = false} : vector<1000x128xbf16>, vector<128x128xbf16>, vector<1000x128xf32> -> vector<1000x128xf32>
    %swap3A_22 = arith.constant 1 : index
    %swap3A_23 = arith.constant 0 : index
    %swap3A_24 = arith.constant 0 : index
    %swap3A_25 = vector.load %arg3[%swap3A_22, %swap3A_23, %swap3A_24] : memref<9x1000x128xf32, #tpu.memory_space<vmem>>, vector<1x1000x128xf32>
    %swap3A_26 = vector.shape_cast %swap3A_25 : vector<1x1000x128xf32> to vector<1000x128xf32>
    %swap3A_27 = vector.shape_cast %dot_general3A_21 : vector<1000x128xf32> to vector<1x1000x128xf32>
    tpu.vector_store %arg3[%swap3A_22, %swap3A_23, %swap3A_24], %swap3A_27 {strides = array<i32>} : memref<9x1000x128xf32, #tpu.memory_space<vmem>>, vector<1x1000x128xf32>,
    %get3A_28 = arith.constant 2 : index
    %get3A_29 = arith.constant 0 : index
    %get3A_30 = arith.constant 0 : index
    %get3A_31 = vector.load %arg2[%get3A_28, %get3A_29, %get3A_30] : memref<9x128x128xf32, #tpu.memory_space<vmem>>, vector<1x128x128xf32>
    %get3A_32 = vector.shape_cast %get3A_31 : vector<1x128x128xf32> to vector<128x128xf32>
    %convert_element_type3A_33 = arith.truncf %get3A_32 : vector<128x128xf32> to vector<128x128xbf16>
    %dot_general3A_34 = arith.constant dense<0.000000e+00> : vector<1000x128xf32>
    %dot_general3A_35 = tpu.matmul %convert_element_type3A, %convert_element_type3A_33, %dot_general3A_34 {dimension_numbers = #tpu.dot_dimension_numbers<[1], [0], [0], [1], [0, 0, 1, 1], [], []>, transpose_lhs_hint = false} : vector<1000x128xbf16>, vector<128x128xbf16>, vector<1000x128xf32> -> vector<1000x128xf32>
    %swap3A_36 = arith.constant 2 : index
    %swap3A_37 = arith.constant 0 : index
    %swap3A_38 = arith.constant 0 : index
    %swap3A_39 = vector.load %arg3[%swap3A_36, %swap3A_37, %swap3A_38] : memref<9x1000x128xf32, #tpu.memory_space<vmem>>, vector<1x1000x128xf32>
    %swap3A_40 = vector.shape_cast %swap3A_39 : vector<1x1000x128xf32> to vector<1000x128xf32>
    %swap3A_41 = vector.shape_cast %dot_general3A_35 : vector<1000x128xf32> to vector<1x1000x128xf32>
    tpu.vector_store %arg3[%swap3A_36, %swap3A_37, %swap3A_38], %swap3A_41 {strides = array<i32>} : memref<9x1000x128xf32, #tpu.memory_space<vmem>>, vector<1x1000x128xf32>,
    %get3A_42 = arith.constant 3 : index
    %get3A_43 = arith.constant 0 : index
    %get3A_44 = arith.constant 0 : index
    %get3A_45 = vector.load %arg2[%get3A_42, %get3A_43, %get3A_44] : memref<9x128x128xf32, #tpu.memory_space<vmem>>, vector<1x128x128xf32>
    %get3A_46 = vector.shape_cast %get3A_45 : vector<1x128x128xf32> to vector<128x128xf32>
    %convert_element_type3A_47 = arith.truncf %get3A_46 : vector<128x128xf32> to vector<128x128xbf16>
    %dot_general3A_48 = arith.constant dense<0.000000e+00> : vector<1000x128xf32>
    %dot_general3A_49 = tpu.matmul %convert_element_type3A, %convert_element_type3A_47, %dot_general3A_48 {dimension_numbers = #tpu.dot_dimension_numbers<[1], [0], [0], [1], [0, 0, 1, 1], [], []>, transpose_lhs_hint = false} : vector<1000x128xbf16>, vector<128x128xbf16>, vector<1000x128xf32> -> vector<1000x128xf32>
    %swap3A_50 = arith.constant 3 : index
    %swap3A_51 = arith.constant 0 : index
    %swap3A_52 = arith.constant 0 : index
    %swap3A_53 = vector.load %arg3[%swap3A_50, %swap3A_51, %swap3A_52] : memref<9x1000x128xf32, #tpu.memory_space<vmem>>, vector<1x1000x128xf32>
    %swap3A_54 = vector.shape_cast %swap3A_53 : vector<1x1000x128xf32> to vector<1000x128xf32>
    %swap3A_55 = vector.shape_cast %dot_general3A_49 : vector<1000x128xf32> to vector<1x1000x128xf32>
    tpu.vector_store %arg3[%swap3A_50, %swap3A_51, %swap3A_52], %swap3A_55 {strides = array<i32>} : memref<9x1000x128xf32, #tpu.memory_space<vmem>>, vector<1x1000x128xf32>,
    %get3A_56 = arith.constant 4 : index
    %get3A_57 = arith.constant 0 : index
    %get3A_58 = arith.constant 0 : index
    %get3A_59 = vector.load %arg2[%get3A_56, %get3A_57, %get3A_58] : memref<9x128x128xf32, #tpu.memory_space<vmem>>, vector<1x128x128xf32>
    %get3A_60 = vector.shape_cast %get3A_59 : vector<1x128x128xf32> to vector<128x128xf32>
    %convert_element_type3A_61 = arith.truncf %get3A_60 : vector<128x128xf32> to vector<128x128xbf16>
    %dot_general3A_62 = arith.constant dense<0.000000e+00> : vector<1000x128xf32>
    %dot_general3A_63 = tpu.matmul %convert_element_type3A, %convert_element_type3A_61, %dot_general3A_62 {dimension_numbers = #tpu.dot_dimension_numbers<[1], [0], [0], [1], [0, 0, 1, 1], [], []>, transpose_lhs_hint = false} : vector<1000x128xbf16>, vector<128x128xbf16>, vector<1000x128xf32> -> vector<1000x128xf32>
    %swap3A_64 = arith.constant 4 : index
    %swap3A_65 = arith.constant 0 : index
    %swap3A_66 = arith.constant 0 : index
    %swap3A_67 = vector.load %arg3[%swap3A_64, %swap3A_65, %swap3A_66] : memref<9x1000x128xf32, #tpu.memory_space<vmem>>, vector<1x1000x128xf32>
    %swap3A_68 = vector.shape_cast %swap3A_67 : vector<1x1000x128xf32> to vector<1000x128xf32>
    %swap3A_69 = vector.shape_cast %dot_general3A_63 : vector<1000x128xf32> to vector<1x1000x128xf32>
    tpu.vector_store %arg3[%swap3A_64, %swap3A_65, %swap3A_66], %swap3A_69 {strides = array<i32>} : memref<9x1000x128xf32, #tpu.memory_space<vmem>>, vector<1x1000x128xf32>,
    %get3A_70 = arith.constant 5 : index
    %get3A_71 = arith.constant 0 : index
    %get3A_72 = arith.constant 0 : index
    %get3A_73 = vector.load %arg2[%get3A_70, %get3A_71, %get3A_72] : memref<9x128x128xf32, #tpu.memory_space<vmem>>, vector<1x128x128xf32>
    %get3A_74 = vector.shape_cast %get3A_73 : vector<1x128x128xf32> to vector<128x128xf32>
    %convert_element_type3A_75 = arith.truncf %get3A_74 : vector<128x128xf32> to vector<128x128xbf16>
    %dot_general3A_76 = arith.constant dense<0.000000e+00> : vector<1000x128xf32>
    %dot_general3A_77 = tpu.matmul %convert_element_type3A, %convert_element_type3A_75, %dot_general3A_76 {dimension_numbers = #tpu.dot_dimension_numbers<[1], [0], [0], [1], [0, 0, 1, 1], [], []>, transpose_lhs_hint = false} : vector<1000x128xbf16>, vector<128x128xbf16>, vector<1000x128xf32> -> vector<1000x128xf32>
    %swap3A_78 = arith.constant 5 : index
    %swap3A_79 = arith.constant 0 : index
    %swap3A_80 = arith.constant 0 : index
    %swap3A_81 = vector.load %arg3[%swap3A_78, %swap3A_79, %swap3A_80] : memref<9x1000x128xf32, #tpu.memory_space<vmem>>, vector<1x1000x128xf32>
    %swap3A_82 = vector.shape_cast %swap3A_81 : vector<1x1000x128xf32> to vector<1000x128xf32>
    %swap3A_83 = vector.shape_cast %dot_general3A_77 : vector<1000x128xf32> to vector<1x1000x128xf32>
    tpu.vector_store %arg3[%swap3A_78, %swap3A_79, %swap3A_80], %swap3A_83 {strides = array<i32>} : memref<9x1000x128xf32, #tpu.memory_space<vmem>>, vector<1x1000x128xf32>,
    %get3A_84 = arith.constant 6 : index
    %get3A_85 = arith.constant 0 : index
    %get3A_86 = arith.constant 0 : index
    %get3A_87 = vector.load %arg2[%get3A_84, %get3A_85, %get3A_86] : memref<9x128x128xf32, #tpu.memory_space<vmem>>, vector<1x128x128xf32>
    %get3A_88 = vector.shape_cast %get3A_87 : vector<1x128x128xf32> to vector<128x128xf32>
    %convert_element_type3A_89 = arith.truncf %get3A_88 : vector<128x128xf32> to vector<128x128xbf16>
    %dot_general3A_90 = arith.constant dense<0.000000e+00> : vector<1000x128xf32>
    %dot_general3A_91 = tpu.matmul %convert_element_type3A, %convert_element_type3A_89, %dot_general3A_90 {dimension_numbers = #tpu.dot_dimension_numbers<[1], [0], [0], [1], [0, 0, 1, 1], [], []>, transpose_lhs_hint = false} : vector<1000x128xbf16>, vector<128x128xbf16>, vector<1000x128xf32> -> vector<1000x128xf32>
    %swap3A_92 = arith.constant 6 : index
    %swap3A_93 = arith.constant 0 : index
    %swap3A_94 = arith.constant 0 : index
    %swap3A_95 = vector.load %arg3[%swap3A_92, %swap3A_93, %swap3A_94] : memref<9x1000x128xf32, #tpu.memory_space<vmem>>, vector<1x1000x128xf32>
    %swap3A_96 = vector.shape_cast %swap3A_95 : vector<1x1000x128xf32> to vector<1000x128xf32>
    %swap3A_97 = vector.shape_cast %dot_general3A_91 : vector<1000x128xf32> to vector<1x1000x128xf32>
    tpu.vector_store %arg3[%swap3A_92, %swap3A_93, %swap3A_94], %swap3A_97 {strides = array<i32>} : memref<9x1000x128xf32, #tpu.memory_space<vmem>>, vector<1x1000x128xf32>,
    %get3A_98 = arith.constant 7 : index
    %get3A_99 = arith.constant 0 : index
    %get3A_100 = arith.constant 0 : index
    %get3A_101 = vector.load %arg2[%get3A_98, %get3A_99, %get3A_100] : memref<9x128x128xf32, #tpu.memory_space<vmem>>, vector<1x128x128xf32>
    %get3A_102 = vector.shape_cast %get3A_101 : vector<1x128x128xf32> to vector<128x128xf32>
    %convert_element_type3A_103 = arith.truncf %get3A_102 : vector<128x128xf32> to vector<128x128xbf16>
    %dot_general3A_104 = arith.constant dense<0.000000e+00> : vector<1000x128xf32>
    %dot_general3A_105 = tpu.matmul %convert_element_type3A, %convert_element_type3A_103, %dot_general3A_104 {dimension_numbers = #tpu.dot_dimension_numbers<[1], [0], [0], [1], [0, 0, 1, 1], [], []>, transpose_lhs_hint = false} : vector<1000x128xbf16>, vector<128x128xbf16>, vector<1000x128xf32> -> vector<1000x128xf32>
    %swap3A_106 = arith.constant 7 : index
    %swap3A_107 = arith.constant 0 : index
    %swap3A_108 = arith.constant 0 : index
    %swap3A_109 = vector.load %arg3[%swap3A_106, %swap3A_107, %swap3A_108] : memref<9x1000x128xf32, #tpu.memory_space<vmem>>, vector<1x1000x128xf32>
    %swap3A_110 = vector.shape_cast %swap3A_109 : vector<1x1000x128xf32> to vector<1000x128xf32>
    %swap3A_111 = vector.shape_cast %dot_general3A_105 : vector<1000x128xf32> to vector<1x1000x128xf32>
    tpu.vector_store %arg3[%swap3A_106, %swap3A_107, %swap3A_108], %swap3A_111 {strides = array<i32>} : memref<9x1000x128xf32, #tpu.memory_space<vmem>>, vector<1x1000x128xf32>,
    %get3A_112 = arith.constant 8 : index
    %get3A_113 = arith.constant 0 : index
    %get3A_114 = arith.constant 0 : index
    %get3A_115 = vector.load %arg2[%get3A_112, %get3A_113, %get3A_114] : memref<9x128x128xf32, #tpu.memory_space<vmem>>, vector<1x128x128xf32>
    %get3A_116 = vector.shape_cast %get3A_115 : vector<1x128x128xf32> to vector<128x128xf32>
    %convert_element_type3A_117 = arith.truncf %get3A_116 : vector<128x128xf32> to vector<128x128xbf16>
    %dot_general3A_118 = arith.constant dense<0.000000e+00> : vector<1000x128xf32>
    %dot_general3A_119 = tpu.matmul %convert_element_type3A, %convert_element_type3A_117, %dot_general3A_118 {dimension_numbers = #tpu.dot_dimension_numbers<[1], [0], [0], [1], [0, 0, 1, 1], [], []>, transpose_lhs_hint = false} : vector<1000x128xbf16>, vector<128x128xbf16>, vector<1000x128xf32> -> vector<1000x128xf32>
    %swap3A_120 = arith.constant 8 : index
    %swap3A_121 = arith.constant 0 : index
    %swap3A_122 = arith.constant 0 : index
    %swap3A_123 = vector.load %arg3[%swap3A_120, %swap3A_121, %swap3A_122] : memref<9x1000x128xf32, #tpu.memory_space<vmem>>, vector<1x1000x128xf32>
    %swap3A_124 = vector.shape_cast %swap3A_123 : vector<1x1000x128xf32> to vector<1000x128xf32>
    %swap3A_125 = vector.shape_cast %dot_general3A_119 : vector<1000x128xf32> to vector<1x1000x128xf32>
    tpu.vector_store %arg3[%swap3A_120, %swap3A_121, %swap3A_122], %swap3A_125 {strides = array<i32>} : memref<9x1000x128xf32, #tpu.memory_space<vmem>>, vector<1x1000x128xf32>,
    return
  }
  func.func @transform_0(%arg0: i32) -> (i32, i32) {
    %c0_i32 = arith.constant 0 : i32
    %c0_i32_0 = arith.constant 0 : i32
    return %arg0, %c0_i32 : i32, i32
  }
  func.func @transform_1(%arg0: i32) -> (i32, i32, i32) {
    %c0_i32 = arith.constant 0 : i32
    %c0_i32_0 = arith.constant 0 : i32
    %c0_i32_1 = arith.constant 0 : i32
    %c0_i32_2 = arith.constant 0 : i32
    return %c0_i32, %c0_i32_0, %c0_i32_1 : i32, i32, i32
  }
  func.func @transform_2(%arg0: i32) -> (i32, i32, i32) {
    %c0_i32 = arith.constant 0 : i32
    %c0_i32_0 = arith.constant 0 : i32
    %c0_i32_1 = arith.constant 0 : i32
    return %c0_i32, %arg0, %c0_i32_0 : i32, i32, i32
  }
}

module attributes {stable_mosaic.version = 14 : i64} {
  func.func @_mid_body(%arg0: i32, %arg1: memref<2x1000x64xf32, #tpu.memory_space<vmem>>, %arg2: memref<1x128xf32, #tpu.memory_space<vmem>>, %arg3: memref<1x128xf32, #tpu.memory_space<vmem>>, %arg4: memref<9x128x128xf32, #tpu.memory_space<vmem>>, %arg5: memref<9x1000x128xf32, #tpu.memory_space<vmem>>) attributes {dimension_semantics = [#tpu.dimension_semantics<arbitrary>], iteration_bounds = array<i64: 10>, scalar_prefetch = 0 : i64, scratch_operands = 0 : i64, tpu.core_type = #tpu.core_type<tc>, window_params = [{transform_indices = @transform_0, window_bounds = array<i64: 2, 1000, 64>}, {pipeline_mode = #tpu.pipeline_mode<synchronous>, transform_indices = @transform_1, window_bounds = array<i64: 1, 128>}, {pipeline_mode = #tpu.pipeline_mode<synchronous>, transform_indices = @transform_2, window_bounds = array<i64: 1, 128>}, {pipeline_mode = #tpu.pipeline_mode<synchronous>, transform_indices = @transform_3, window_bounds = array<i64: 9, 128, 128>}, {transform_indices = @transform_4, window_bounds = array<i64: 9, 1000, 128>}]} {
    %get3A = arith.constant 0 : index
    %get3A_0 = arith.constant 0 : index
    %get3A_1 = arith.constant 0 : index
    %get3A_2 = vector.load %arg1[%get3A, %get3A_0, %get3A_1] : memref<2x1000x64xf32, #tpu.memory_space<vmem>>, vector<1x1000x64xf32>
    %get3A_3 = vector.shape_cast %get3A_2 : vector<1x1000x64xf32> to vector<1000x64xf32>
    %get3A_4 = arith.constant 1 : index
    %get3A_5 = arith.constant 0 : index
    %get3A_6 = arith.constant 0 : index
    %get3A_7 = vector.load %arg1[%get3A_4, %get3A_5, %get3A_6] : memref<2x1000x64xf32, #tpu.memory_space<vmem>>, vector<1x1000x64xf32>
    %get3A_8 = vector.shape_cast %get3A_7 : vector<1x1000x64xf32> to vector<1000x64xf32>
    %concatenate3A = tpu.concatenate %get3A_3, %get3A_8 in 1 : vector<1000x64xf32>, vector<1000x64xf32> -> vector<1000x128xf32>
    %get3A_9 = arith.constant 0 : index
    %get3A_10 = arith.constant 0 : index
    %get3A_11 = vector.load %arg2[%get3A_9, %get3A_10] : memref<1x128xf32, #tpu.memory_space<vmem>>, vector<1x128xf32>
    %get3A_12 = arith.constant 0 : index
    %get3A_13 = arith.constant 0 : index
    %get3A_14 = vector.load %arg3[%get3A_12, %get3A_13] : memref<1x128xf32, #tpu.memory_space<vmem>>, vector<1x128xf32>
    %reduce_sum3A = arith.constant dense<0.000000e+00> : vector<1000xf32>
    %reduce_sum3A_15 = vector.multi_reduction <add>, %concatenate3A, %reduce_sum3A [1] : vector<1000x128xf32> to vector<1000xf32>
    %broadcast_in_dim3A = vector.shape_cast %reduce_sum3A_15 : vector<1000xf32> to vector<1000x1xf32>
    %div3A = arith.constant 1.280000e+02 : f32
    %div3A_16 = vector.broadcast %div3A : f32 to vector<1000x1xf32>
    %div3A_17 = arith.divf %broadcast_in_dim3A, %div3A_16 : vector<1000x1xf32>
    %sub3A = vector.broadcast %div3A_17 : vector<1000x1xf32> to vector<1000x128xf32>
    %sub3A_18 = arith.subf %concatenate3A, %sub3A : vector<1000x128xf32>
    %integer_pow3A = arith.mulf %sub3A_18, %sub3A_18 : vector<1000x128xf32>
    %reduce_sum3A_19 = arith.constant dense<0.000000e+00> : vector<1000xf32>
    %reduce_sum3A_20 = vector.multi_reduction <add>, %integer_pow3A, %reduce_sum3A_19 [1] : vector<1000x128xf32> to vector<1000xf32>
    %broadcast_in_dim3A_21 = vector.shape_cast %reduce_sum3A_20 : vector<1000xf32> to vector<1000x1xf32>
    %div3A_22 = arith.constant 1.280000e+02 : f32
    %div3A_23 = vector.broadcast %div3A_22 : f32 to vector<1000x1xf32>
    %div3A_24 = arith.divf %broadcast_in_dim3A_21, %div3A_23 : vector<1000x1xf32>
    %sub3A_25 = vector.broadcast %div3A_17 : vector<1000x1xf32> to vector<1000x128xf32>
    %sub3A_26 = arith.subf %concatenate3A, %sub3A_25 : vector<1000x128xf32>
    %add3A = arith.constant 9.99999997E-7 : f32
    %add3A_27 = vector.broadcast %add3A : f32 to vector<1000x1xf32>
    %add3A_28 = arith.addf %div3A_24, %add3A_27 : vector<1000x1xf32>
    %rsqrt3A = math.rsqrt %add3A_28 : vector<1000x1xf32>
    %mul3A = vector.broadcast %rsqrt3A : vector<1000x1xf32> to vector<1000x128xf32>
    %mul3A_29 = arith.mulf %sub3A_26, %mul3A : vector<1000x128xf32>
    %mul3A_30 = vector.broadcast %get3A_11 : vector<1x128xf32> to vector<1000x128xf32>
    %mul3A_31 = arith.mulf %mul3A_29, %mul3A_30 : vector<1000x128xf32>
    %add3A_32 = vector.broadcast %get3A_14 : vector<1x128xf32> to vector<1000x128xf32>
    %add3A_33 = arith.addf %mul3A_31, %add3A_32 : vector<1000x128xf32>
    %integer_pow3A_34 = arith.mulf %add3A_33, %add3A_33 : vector<1000x128xf32>
    %integer_pow3A_35 = arith.mulf %add3A_33, %integer_pow3A_34 : vector<1000x128xf32>
    %mul3A_36 = arith.constant 4.471500e-02 : f32
    %mul3A_37 = vector.broadcast %mul3A_36 : f32 to vector<1000x128xf32>
    %mul3A_38 = arith.mulf %mul3A_37, %integer_pow3A_35 : vector<1000x128xf32>
    %add3A_39 = arith.addf %add3A_33, %mul3A_38 : vector<1000x128xf32>
    %mul3A_40 = arith.constant 0.797884583 : f32
    %mul3A_41 = vector.broadcast %mul3A_40 : f32 to vector<1000x128xf32>
    %mul3A_42 = arith.mulf %mul3A_41, %add3A_39 : vector<1000x128xf32>
    %tanh3A = math.tanh %mul3A_42 : vector<1000x128xf32>
    %add3A_43 = arith.constant 1.000000e+00 : f32
    %add3A_44 = vector.broadcast %add3A_43 : f32 to vector<1000x128xf32>
    %add3A_45 = arith.addf %add3A_44, %tanh3A : vector<1000x128xf32>
    %mul3A_46 = arith.constant 5.000000e-01 : f32
    %mul3A_47 = vector.broadcast %mul3A_46 : f32 to vector<1000x128xf32>
    %mul3A_48 = arith.mulf %mul3A_47, %add3A_45 : vector<1000x128xf32>
    %mul3A_49 = arith.mulf %add3A_33, %mul3A_48 : vector<1000x128xf32>
    %convert_element_type3A = arith.truncf %mul3A_49 : vector<1000x128xf32> to vector<1000x128xbf16>
    %get3A_50 = arith.constant 0 : index
    %get3A_51 = arith.constant 0 : index
    %get3A_52 = arith.constant 0 : index
    %get3A_53 = vector.load %arg4[%get3A_50, %get3A_51, %get3A_52] : memref<9x128x128xf32, #tpu.memory_space<vmem>>, vector<1x128x128xf32>
    %get3A_54 = vector.shape_cast %get3A_53 : vector<1x128x128xf32> to vector<128x128xf32>
    %convert_element_type3A_55 = arith.truncf %get3A_54 : vector<128x128xf32> to vector<128x128xbf16>
    %dot_general3A = arith.constant dense<0.000000e+00> : vector<1000x128xf32>
    %dot_general3A_56 = tpu.matmul %convert_element_type3A, %convert_element_type3A_55, %dot_general3A {dimension_numbers = #tpu.dot_dimension_numbers<[1], [0], [0], [1], [0, 0, 1, 1], [], []>, transpose_lhs_hint = false} : vector<1000x128xbf16>, vector<128x128xbf16>, vector<1000x128xf32> -> vector<1000x128xf32>
    %swap3A = arith.constant 0 : index
    %swap3A_57 = arith.constant 0 : index
    %swap3A_58 = arith.constant 0 : index
    %swap3A_59 = vector.load %arg5[%swap3A, %swap3A_57, %swap3A_58] : memref<9x1000x128xf32, #tpu.memory_space<vmem>>, vector<1x1000x128xf32>
    %swap3A_60 = vector.shape_cast %swap3A_59 : vector<1x1000x128xf32> to vector<1000x128xf32>
    %swap3A_61 = vector.shape_cast %dot_general3A_56 : vector<1000x128xf32> to vector<1x1000x128xf32>
    tpu.vector_store %arg5[%swap3A, %swap3A_57, %swap3A_58], %swap3A_61 {strides = array<i32>} : memref<9x1000x128xf32, #tpu.memory_space<vmem>>, vector<1x1000x128xf32>,
    %get3A_62 = arith.constant 1 : index
    %get3A_63 = arith.constant 0 : index
    %get3A_64 = arith.constant 0 : index
    %get3A_65 = vector.load %arg4[%get3A_62, %get3A_63, %get3A_64] : memref<9x128x128xf32, #tpu.memory_space<vmem>>, vector<1x128x128xf32>
    %get3A_66 = vector.shape_cast %get3A_65 : vector<1x128x128xf32> to vector<128x128xf32>
    %convert_element_type3A_67 = arith.truncf %get3A_66 : vector<128x128xf32> to vector<128x128xbf16>
    %dot_general3A_68 = arith.constant dense<0.000000e+00> : vector<1000x128xf32>
    %dot_general3A_69 = tpu.matmul %convert_element_type3A, %convert_element_type3A_67, %dot_general3A_68 {dimension_numbers = #tpu.dot_dimension_numbers<[1], [0], [0], [1], [0, 0, 1, 1], [], []>, transpose_lhs_hint = false} : vector<1000x128xbf16>, vector<128x128xbf16>, vector<1000x128xf32> -> vector<1000x128xf32>
    %swap3A_70 = arith.constant 1 : index
    %swap3A_71 = arith.constant 0 : index
    %swap3A_72 = arith.constant 0 : index
    %swap3A_73 = vector.load %arg5[%swap3A_70, %swap3A_71, %swap3A_72] : memref<9x1000x128xf32, #tpu.memory_space<vmem>>, vector<1x1000x128xf32>
    %swap3A_74 = vector.shape_cast %swap3A_73 : vector<1x1000x128xf32> to vector<1000x128xf32>
    %swap3A_75 = vector.shape_cast %dot_general3A_69 : vector<1000x128xf32> to vector<1x1000x128xf32>
    tpu.vector_store %arg5[%swap3A_70, %swap3A_71, %swap3A_72], %swap3A_75 {strides = array<i32>} : memref<9x1000x128xf32, #tpu.memory_space<vmem>>, vector<1x1000x128xf32>,
    %get3A_76 = arith.constant 2 : index
    %get3A_77 = arith.constant 0 : index
    %get3A_78 = arith.constant 0 : index
    %get3A_79 = vector.load %arg4[%get3A_76, %get3A_77, %get3A_78] : memref<9x128x128xf32, #tpu.memory_space<vmem>>, vector<1x128x128xf32>
    %get3A_80 = vector.shape_cast %get3A_79 : vector<1x128x128xf32> to vector<128x128xf32>
    %convert_element_type3A_81 = arith.truncf %get3A_80 : vector<128x128xf32> to vector<128x128xbf16>
    %dot_general3A_82 = arith.constant dense<0.000000e+00> : vector<1000x128xf32>
    %dot_general3A_83 = tpu.matmul %convert_element_type3A, %convert_element_type3A_81, %dot_general3A_82 {dimension_numbers = #tpu.dot_dimension_numbers<[1], [0], [0], [1], [0, 0, 1, 1], [], []>, transpose_lhs_hint = false} : vector<1000x128xbf16>, vector<128x128xbf16>, vector<1000x128xf32> -> vector<1000x128xf32>
    %swap3A_84 = arith.constant 2 : index
    %swap3A_85 = arith.constant 0 : index
    %swap3A_86 = arith.constant 0 : index
    %swap3A_87 = vector.load %arg5[%swap3A_84, %swap3A_85, %swap3A_86] : memref<9x1000x128xf32, #tpu.memory_space<vmem>>, vector<1x1000x128xf32>
    %swap3A_88 = vector.shape_cast %swap3A_87 : vector<1x1000x128xf32> to vector<1000x128xf32>
    %swap3A_89 = vector.shape_cast %dot_general3A_83 : vector<1000x128xf32> to vector<1x1000x128xf32>
    tpu.vector_store %arg5[%swap3A_84, %swap3A_85, %swap3A_86], %swap3A_89 {strides = array<i32>} : memref<9x1000x128xf32, #tpu.memory_space<vmem>>, vector<1x1000x128xf32>,
    %get3A_90 = arith.constant 3 : index
    %get3A_91 = arith.constant 0 : index
    %get3A_92 = arith.constant 0 : index
    %get3A_93 = vector.load %arg4[%get3A_90, %get3A_91, %get3A_92] : memref<9x128x128xf32, #tpu.memory_space<vmem>>, vector<1x128x128xf32>
    %get3A_94 = vector.shape_cast %get3A_93 : vector<1x128x128xf32> to vector<128x128xf32>
    %convert_element_type3A_95 = arith.truncf %get3A_94 : vector<128x128xf32> to vector<128x128xbf16>
    %dot_general3A_96 = arith.constant dense<0.000000e+00> : vector<1000x128xf32>
    %dot_general3A_97 = tpu.matmul %convert_element_type3A, %convert_element_type3A_95, %dot_general3A_96 {dimension_numbers = #tpu.dot_dimension_numbers<[1], [0], [0], [1], [0, 0, 1, 1], [], []>, transpose_lhs_hint = false} : vector<1000x128xbf16>, vector<128x128xbf16>, vector<1000x128xf32> -> vector<1000x128xf32>
    %swap3A_98 = arith.constant 3 : index
    %swap3A_99 = arith.constant 0 : index
    %swap3A_100 = arith.constant 0 : index
    %swap3A_101 = vector.load %arg5[%swap3A_98, %swap3A_99, %swap3A_100] : memref<9x1000x128xf32, #tpu.memory_space<vmem>>, vector<1x1000x128xf32>
    %swap3A_102 = vector.shape_cast %swap3A_101 : vector<1x1000x128xf32> to vector<1000x128xf32>
    %swap3A_103 = vector.shape_cast %dot_general3A_97 : vector<1000x128xf32> to vector<1x1000x128xf32>
    tpu.vector_store %arg5[%swap3A_98, %swap3A_99, %swap3A_100], %swap3A_103 {strides = array<i32>} : memref<9x1000x128xf32, #tpu.memory_space<vmem>>, vector<1x1000x128xf32>,
    %get3A_104 = arith.constant 4 : index
    %get3A_105 = arith.constant 0 : index
    %get3A_106 = arith.constant 0 : index
    %get3A_107 = vector.load %arg4[%get3A_104, %get3A_105, %get3A_106] : memref<9x128x128xf32, #tpu.memory_space<vmem>>, vector<1x128x128xf32>
    %get3A_108 = vector.shape_cast %get3A_107 : vector<1x128x128xf32> to vector<128x128xf32>
    %convert_element_type3A_109 = arith.truncf %get3A_108 : vector<128x128xf32> to vector<128x128xbf16>
    %dot_general3A_110 = arith.constant dense<0.000000e+00> : vector<1000x128xf32>
    %dot_general3A_111 = tpu.matmul %convert_element_type3A, %convert_element_type3A_109, %dot_general3A_110 {dimension_numbers = #tpu.dot_dimension_numbers<[1], [0], [0], [1], [0, 0, 1, 1], [], []>, transpose_lhs_hint = false} : vector<1000x128xbf16>, vector<128x128xbf16>, vector<1000x128xf32> -> vector<1000x128xf32>
    %swap3A_112 = arith.constant 4 : index
    %swap3A_113 = arith.constant 0 : index
    %swap3A_114 = arith.constant 0 : index
    %swap3A_115 = vector.load %arg5[%swap3A_112, %swap3A_113, %swap3A_114] : memref<9x1000x128xf32, #tpu.memory_space<vmem>>, vector<1x1000x128xf32>
    %swap3A_116 = vector.shape_cast %swap3A_115 : vector<1x1000x128xf32> to vector<1000x128xf32>
    %swap3A_117 = vector.shape_cast %dot_general3A_111 : vector<1000x128xf32> to vector<1x1000x128xf32>
    tpu.vector_store %arg5[%swap3A_112, %swap3A_113, %swap3A_114], %swap3A_117 {strides = array<i32>} : memref<9x1000x128xf32, #tpu.memory_space<vmem>>, vector<1x1000x128xf32>,
    %get3A_118 = arith.constant 5 : index
    %get3A_119 = arith.constant 0 : index
    %get3A_120 = arith.constant 0 : index
    %get3A_121 = vector.load %arg4[%get3A_118, %get3A_119, %get3A_120] : memref<9x128x128xf32, #tpu.memory_space<vmem>>, vector<1x128x128xf32>
    %get3A_122 = vector.shape_cast %get3A_121 : vector<1x128x128xf32> to vector<128x128xf32>
    %convert_element_type3A_123 = arith.truncf %get3A_122 : vector<128x128xf32> to vector<128x128xbf16>
    %dot_general3A_124 = arith.constant dense<0.000000e+00> : vector<1000x128xf32>
    %dot_general3A_125 = tpu.matmul %convert_element_type3A, %convert_element_type3A_123, %dot_general3A_124 {dimension_numbers = #tpu.dot_dimension_numbers<[1], [0], [0], [1], [0, 0, 1, 1], [], []>, transpose_lhs_hint = false} : vector<1000x128xbf16>, vector<128x128xbf16>, vector<1000x128xf32> -> vector<1000x128xf32>
    %swap3A_126 = arith.constant 5 : index
    %swap3A_127 = arith.constant 0 : index
    %swap3A_128 = arith.constant 0 : index
    %swap3A_129 = vector.load %arg5[%swap3A_126, %swap3A_127, %swap3A_128] : memref<9x1000x128xf32, #tpu.memory_space<vmem>>, vector<1x1000x128xf32>
    %swap3A_130 = vector.shape_cast %swap3A_129 : vector<1x1000x128xf32> to vector<1000x128xf32>
    %swap3A_131 = vector.shape_cast %dot_general3A_125 : vector<1000x128xf32> to vector<1x1000x128xf32>
    tpu.vector_store %arg5[%swap3A_126, %swap3A_127, %swap3A_128], %swap3A_131 {strides = array<i32>} : memref<9x1000x128xf32, #tpu.memory_space<vmem>>, vector<1x1000x128xf32>,
    %get3A_132 = arith.constant 6 : index
    %get3A_133 = arith.constant 0 : index
    %get3A_134 = arith.constant 0 : index
    %get3A_135 = vector.load %arg4[%get3A_132, %get3A_133, %get3A_134] : memref<9x128x128xf32, #tpu.memory_space<vmem>>, vector<1x128x128xf32>
    %get3A_136 = vector.shape_cast %get3A_135 : vector<1x128x128xf32> to vector<128x128xf32>
    %convert_element_type3A_137 = arith.truncf %get3A_136 : vector<128x128xf32> to vector<128x128xbf16>
    %dot_general3A_138 = arith.constant dense<0.000000e+00> : vector<1000x128xf32>
    %dot_general3A_139 = tpu.matmul %convert_element_type3A, %convert_element_type3A_137, %dot_general3A_138 {dimension_numbers = #tpu.dot_dimension_numbers<[1], [0], [0], [1], [0, 0, 1, 1], [], []>, transpose_lhs_hint = false} : vector<1000x128xbf16>, vector<128x128xbf16>, vector<1000x128xf32> -> vector<1000x128xf32>
    %swap3A_140 = arith.constant 6 : index
    %swap3A_141 = arith.constant 0 : index
    %swap3A_142 = arith.constant 0 : index
    %swap3A_143 = vector.load %arg5[%swap3A_140, %swap3A_141, %swap3A_142] : memref<9x1000x128xf32, #tpu.memory_space<vmem>>, vector<1x1000x128xf32>
    %swap3A_144 = vector.shape_cast %swap3A_143 : vector<1x1000x128xf32> to vector<1000x128xf32>
    %swap3A_145 = vector.shape_cast %dot_general3A_139 : vector<1000x128xf32> to vector<1x1000x128xf32>
    tpu.vector_store %arg5[%swap3A_140, %swap3A_141, %swap3A_142], %swap3A_145 {strides = array<i32>} : memref<9x1000x128xf32, #tpu.memory_space<vmem>>, vector<1x1000x128xf32>,
    %get3A_146 = arith.constant 7 : index
    %get3A_147 = arith.constant 0 : index
    %get3A_148 = arith.constant 0 : index
    %get3A_149 = vector.load %arg4[%get3A_146, %get3A_147, %get3A_148] : memref<9x128x128xf32, #tpu.memory_space<vmem>>, vector<1x128x128xf32>
    %get3A_150 = vector.shape_cast %get3A_149 : vector<1x128x128xf32> to vector<128x128xf32>
    %convert_element_type3A_151 = arith.truncf %get3A_150 : vector<128x128xf32> to vector<128x128xbf16>
    %dot_general3A_152 = arith.constant dense<0.000000e+00> : vector<1000x128xf32>
    %dot_general3A_153 = tpu.matmul %convert_element_type3A, %convert_element_type3A_151, %dot_general3A_152 {dimension_numbers = #tpu.dot_dimension_numbers<[1], [0], [0], [1], [0, 0, 1, 1], [], []>, transpose_lhs_hint = false} : vector<1000x128xbf16>, vector<128x128xbf16>, vector<1000x128xf32> -> vector<1000x128xf32>
    %swap3A_154 = arith.constant 7 : index
    %swap3A_155 = arith.constant 0 : index
    %swap3A_156 = arith.constant 0 : index
    %swap3A_157 = vector.load %arg5[%swap3A_154, %swap3A_155, %swap3A_156] : memref<9x1000x128xf32, #tpu.memory_space<vmem>>, vector<1x1000x128xf32>
    %swap3A_158 = vector.shape_cast %swap3A_157 : vector<1x1000x128xf32> to vector<1000x128xf32>
    %swap3A_159 = vector.shape_cast %dot_general3A_153 : vector<1000x128xf32> to vector<1x1000x128xf32>
    tpu.vector_store %arg5[%swap3A_154, %swap3A_155, %swap3A_156], %swap3A_159 {strides = array<i32>} : memref<9x1000x128xf32, #tpu.memory_space<vmem>>, vector<1x1000x128xf32>,
    %get3A_160 = arith.constant 8 : index
    %get3A_161 = arith.constant 0 : index
    %get3A_162 = arith.constant 0 : index
    %get3A_163 = vector.load %arg4[%get3A_160, %get3A_161, %get3A_162] : memref<9x128x128xf32, #tpu.memory_space<vmem>>, vector<1x128x128xf32>
    %get3A_164 = vector.shape_cast %get3A_163 : vector<1x128x128xf32> to vector<128x128xf32>
    %convert_element_type3A_165 = arith.truncf %get3A_164 : vector<128x128xf32> to vector<128x128xbf16>
    %dot_general3A_166 = arith.constant dense<0.000000e+00> : vector<1000x128xf32>
    %dot_general3A_167 = tpu.matmul %convert_element_type3A, %convert_element_type3A_165, %dot_general3A_166 {dimension_numbers = #tpu.dot_dimension_numbers<[1], [0], [0], [1], [0, 0, 1, 1], [], []>, transpose_lhs_hint = false} : vector<1000x128xbf16>, vector<128x128xbf16>, vector<1000x128xf32> -> vector<1000x128xf32>
    %swap3A_168 = arith.constant 8 : index
    %swap3A_169 = arith.constant 0 : index
    %swap3A_170 = arith.constant 0 : index
    %swap3A_171 = vector.load %arg5[%swap3A_168, %swap3A_169, %swap3A_170] : memref<9x1000x128xf32, #tpu.memory_space<vmem>>, vector<1x1000x128xf32>
    %swap3A_172 = vector.shape_cast %swap3A_171 : vector<1x1000x128xf32> to vector<1000x128xf32>
    %swap3A_173 = vector.shape_cast %dot_general3A_167 : vector<1000x128xf32> to vector<1x1000x128xf32>
    tpu.vector_store %arg5[%swap3A_168, %swap3A_169, %swap3A_170], %swap3A_173 {strides = array<i32>} : memref<9x1000x128xf32, #tpu.memory_space<vmem>>, vector<1x1000x128xf32>,
    return
  }
  func.func @transform_0(%arg0: i32) -> (i32, i32, i32) {
    %c0_i32 = arith.constant 0 : i32
    %c0_i32_0 = arith.constant 0 : i32
    %c0_i32_1 = arith.constant 0 : i32
    return %c0_i32, %arg0, %c0_i32_0 : i32, i32, i32
  }
  func.func @transform_1(%arg0: i32) -> (i32, i32) {
    %c0_i32 = arith.constant 0 : i32
    %c0_i32_0 = arith.constant 0 : i32
    %c0_i32_1 = arith.constant 0 : i32
    return %c0_i32, %c0_i32_0 : i32, i32
  }
  func.func @transform_2(%arg0: i32) -> (i32, i32) {
    %c0_i32 = arith.constant 0 : i32
    %c0_i32_0 = arith.constant 0 : i32
    %c0_i32_1 = arith.constant 0 : i32
    return %c0_i32, %c0_i32_0 : i32, i32
  }
  func.func @transform_3(%arg0: i32) -> (i32, i32, i32) {
    %c0_i32 = arith.constant 0 : i32
    %c0_i32_0 = arith.constant 0 : i32
    %c0_i32_1 = arith.constant 0 : i32
    %c0_i32_2 = arith.constant 0 : i32
    return %c0_i32, %c0_i32_0, %c0_i32_1 : i32, i32, i32
  }
  func.func @transform_4(%arg0: i32) -> (i32, i32, i32) {
    %c0_i32 = arith.constant 0 : i32
    %c0_i32_0 = arith.constant 0 : i32
    %c0_i32_1 = arith.constant 0 : i32
    return %c0_i32, %arg0, %c0_i32_0 : i32, i32, i32
  }
}

module attributes {stable_mosaic.version = 14 : i64} {
  func.func @_final_body(%arg0: i32, %arg1: memref<2x1000x64xf32, #tpu.memory_space<vmem>>, %arg2: memref<1x128xf32, #tpu.memory_space<vmem>>, %arg3: memref<1x128xf32, #tpu.memory_space<vmem>>, %arg4: memref<1000x128xf32, #tpu.memory_space<vmem>>, %arg5: memref<1000x128xf32, #tpu.memory_space<vmem>>) attributes {dimension_semantics = [#tpu.dimension_semantics<arbitrary>], iteration_bounds = array<i64: 10>, scalar_prefetch = 0 : i64, scratch_operands = 0 : i64, tpu.core_type = #tpu.core_type<tc>, window_params = [{transform_indices = @transform_0, window_bounds = array<i64: 2, 1000, 64>}, {pipeline_mode = #tpu.pipeline_mode<synchronous>, transform_indices = @transform_1, window_bounds = array<i64: 1, 128>}, {pipeline_mode = #tpu.pipeline_mode<synchronous>, transform_indices = @transform_2, window_bounds = array<i64: 1, 128>}, {transform_indices = @transform_3, window_bounds = array<i64: 1000, 128>}, {transform_indices = @transform_4, window_bounds = array<i64: 1000, 128>}]} {
    %get3A = arith.constant 0 : index
    %get3A_0 = arith.constant 0 : index
    %get3A_1 = arith.constant 0 : index
    %get3A_2 = vector.load %arg1[%get3A, %get3A_0, %get3A_1] : memref<2x1000x64xf32, #tpu.memory_space<vmem>>, vector<1x1000x64xf32>
    %get3A_3 = vector.shape_cast %get3A_2 : vector<1x1000x64xf32> to vector<1000x64xf32>
    %get3A_4 = arith.constant 1 : index
    %get3A_5 = arith.constant 0 : index
    %get3A_6 = arith.constant 0 : index
    %get3A_7 = vector.load %arg1[%get3A_4, %get3A_5, %get3A_6] : memref<2x1000x64xf32, #tpu.memory_space<vmem>>, vector<1x1000x64xf32>
    %get3A_8 = vector.shape_cast %get3A_7 : vector<1x1000x64xf32> to vector<1000x64xf32>
    %concatenate3A = tpu.concatenate %get3A_3, %get3A_8 in 1 : vector<1000x64xf32>, vector<1000x64xf32> -> vector<1000x128xf32>
    %get3A_9 = arith.constant 0 : index
    %get3A_10 = arith.constant 0 : index
    %get3A_11 = vector.load %arg2[%get3A_9, %get3A_10] : memref<1x128xf32, #tpu.memory_space<vmem>>, vector<1x128xf32>
    %get3A_12 = arith.constant 0 : index
    %get3A_13 = arith.constant 0 : index
    %get3A_14 = vector.load %arg3[%get3A_12, %get3A_13] : memref<1x128xf32, #tpu.memory_space<vmem>>, vector<1x128xf32>
    %reduce_sum3A = arith.constant dense<0.000000e+00> : vector<1000xf32>
    %reduce_sum3A_15 = vector.multi_reduction <add>, %concatenate3A, %reduce_sum3A [1] : vector<1000x128xf32> to vector<1000xf32>
    %broadcast_in_dim3A = vector.shape_cast %reduce_sum3A_15 : vector<1000xf32> to vector<1000x1xf32>
    %div3A = arith.constant 1.280000e+02 : f32
    %div3A_16 = vector.broadcast %div3A : f32 to vector<1000x1xf32>
    %div3A_17 = arith.divf %broadcast_in_dim3A, %div3A_16 : vector<1000x1xf32>
    %sub3A = vector.broadcast %div3A_17 : vector<1000x1xf32> to vector<1000x128xf32>
    %sub3A_18 = arith.subf %concatenate3A, %sub3A : vector<1000x128xf32>
    %integer_pow3A = arith.mulf %sub3A_18, %sub3A_18 : vector<1000x128xf32>
    %reduce_sum3A_19 = arith.constant dense<0.000000e+00> : vector<1000xf32>
    %reduce_sum3A_20 = vector.multi_reduction <add>, %integer_pow3A, %reduce_sum3A_19 [1] : vector<1000x128xf32> to vector<1000xf32>
    %broadcast_in_dim3A_21 = vector.shape_cast %reduce_sum3A_20 : vector<1000xf32> to vector<1000x1xf32>
    %div3A_22 = arith.constant 1.280000e+02 : f32
    %div3A_23 = vector.broadcast %div3A_22 : f32 to vector<1000x1xf32>
    %div3A_24 = arith.divf %broadcast_in_dim3A_21, %div3A_23 : vector<1000x1xf32>
    %sub3A_25 = vector.broadcast %div3A_17 : vector<1000x1xf32> to vector<1000x128xf32>
    %sub3A_26 = arith.subf %concatenate3A, %sub3A_25 : vector<1000x128xf32>
    %add3A = arith.constant 9.99999997E-7 : f32
    %add3A_27 = vector.broadcast %add3A : f32 to vector<1000x1xf32>
    %add3A_28 = arith.addf %div3A_24, %add3A_27 : vector<1000x1xf32>
    %rsqrt3A = math.rsqrt %add3A_28 : vector<1000x1xf32>
    %mul3A = vector.broadcast %rsqrt3A : vector<1000x1xf32> to vector<1000x128xf32>
    %mul3A_29 = arith.mulf %sub3A_26, %mul3A : vector<1000x128xf32>
    %mul3A_30 = vector.broadcast %get3A_11 : vector<1x128xf32> to vector<1000x128xf32>
    %mul3A_31 = arith.mulf %mul3A_29, %mul3A_30 : vector<1000x128xf32>
    %add3A_32 = vector.broadcast %get3A_14 : vector<1x128xf32> to vector<1000x128xf32>
    %add3A_33 = arith.addf %mul3A_31, %add3A_32 : vector<1000x128xf32>
    %get3A_34 = arith.constant 0 : index
    %get3A_35 = arith.constant 0 : index
    %get3A_36 = vector.load %arg4[%get3A_34, %get3A_35] : memref<1000x128xf32, #tpu.memory_space<vmem>>, vector<1000x128xf32>
    %add3A_37 = arith.addf %add3A_33, %get3A_36 : vector<1000x128xf32>
    %integer_pow3A_38 = arith.mulf %add3A_37, %add3A_37 : vector<1000x128xf32>
    %integer_pow3A_39 = arith.mulf %add3A_37, %integer_pow3A_38 : vector<1000x128xf32>
    %mul3A_40 = arith.constant 4.471500e-02 : f32
    %mul3A_41 = vector.broadcast %mul3A_40 : f32 to vector<1000x128xf32>
    %mul3A_42 = arith.mulf %mul3A_41, %integer_pow3A_39 : vector<1000x128xf32>
    %add3A_43 = arith.addf %add3A_37, %mul3A_42 : vector<1000x128xf32>
    %mul3A_44 = arith.constant 0.797884583 : f32
    %mul3A_45 = vector.broadcast %mul3A_44 : f32 to vector<1000x128xf32>
    %mul3A_46 = arith.mulf %mul3A_45, %add3A_43 : vector<1000x128xf32>
    %tanh3A = math.tanh %mul3A_46 : vector<1000x128xf32>
    %add3A_47 = arith.constant 1.000000e+00 : f32
    %add3A_48 = vector.broadcast %add3A_47 : f32 to vector<1000x128xf32>
    %add3A_49 = arith.addf %add3A_48, %tanh3A : vector<1000x128xf32>
    %mul3A_50 = arith.constant 5.000000e-01 : f32
    %mul3A_51 = vector.broadcast %mul3A_50 : f32 to vector<1000x128xf32>
    %mul3A_52 = arith.mulf %mul3A_51, %add3A_49 : vector<1000x128xf32>
    %mul3A_53 = arith.mulf %add3A_37, %mul3A_52 : vector<1000x128xf32>
    %swap3A = arith.constant 0 : index
    %swap3A_54 = arith.constant 0 : index
    %swap3A_55 = vector.load %arg5[%swap3A, %swap3A_54] : memref<1000x128xf32, #tpu.memory_space<vmem>>, vector<1000x128xf32>
    tpu.vector_store %arg5[%swap3A, %swap3A_54], %mul3A_53 {strides = array<i32>} : memref<1000x128xf32, #tpu.memory_space<vmem>>, vector<1000x128xf32>,
    return
  }
  func.func @transform_0(%arg0: i32) -> (i32, i32, i32) {
    %c0_i32 = arith.constant 0 : i32
    %c0_i32_0 = arith.constant 0 : i32
    %c0_i32_1 = arith.constant 0 : i32
    return %c0_i32, %arg0, %c0_i32_0 : i32, i32, i32
  }
  func.func @transform_1(%arg0: i32) -> (i32, i32) {
    %c0_i32 = arith.constant 0 : i32
    %c0_i32_0 = arith.constant 0 : i32
    %c0_i32_1 = arith.constant 0 : i32
    return %c0_i32, %c0_i32_0 : i32, i32
  }
  func.func @transform_2(%arg0: i32) -> (i32, i32) {
    %c0_i32 = arith.constant 0 : i32
    %c0_i32_0 = arith.constant 0 : i32
    %c0_i32_1 = arith.constant 0 : i32
    return %c0_i32, %c0_i32_0 : i32, i32
  }
  func.func @transform_3(%arg0: i32) -> (i32, i32) {
    %c0_i32 = arith.constant 0 : i32
    %c0_i32_0 = arith.constant 0 : i32
    return %arg0, %c0_i32 : i32, i32
  }
  func.func @transform_4(%arg0: i32) -> (i32, i32) {
    %c0_i32 = arith.constant 0 : i32
    %c0_i32_0 = arith.constant 0 : i32
    return %arg0, %c0_i32 : i32, i32
  }
}

</mosaic_0001>

<sc_bundles>
// kernel: kernel.10.cloned.1.call-start
scs
__scs_entry_jumppad:
0x0: {  	(pc) =	sbr.rel $0x88, $3  }
0x1: {  	(tag) =	ssettag $0x0;
	lr =	simm.s32 $0x1  }
0x2: {  	[smem:$0x3F98] =	sst lr;
	_ =	strace $0xD0000000  }
0x3: {  	_ = 	snop  }
0x4: {  	_ = 	snop  }
0x5: {  	_ = 	snop  }
0x6: {  	_ = 	snop  }
0x7: {  	_ = 	snop  }
__scs_overlays_trampoline_lowered:
0x8: {  	[smem:$0x3FA7] =	sst s0  }
0x9: {  	[smem:$0x3FA8] =	sst s1  }
0xa: {  	[smem:$0x3FA9] =	sst s2  }
0xb: {  	[smem:$0x3FAA] =	sst s3  }
0xc: {  	[smem:$0x3FAB] =	sst s4  }
0xd: {  	[smem:$0x3FAC] =	sst s5  }
0xe: {  	[smem:$0x3FAD] =	sst s6  }
0xf: {  	[smem:$0x3FAE] =	sst s7  }
0x10: {  	[smem:$0x3FAF] =	sst s8  }
0x11: {  	[smem:$0x3FB0] =	sst s9;
	s0 =	simm.s32 @!p0 $0x0  }
0x12: {  	s1 =	sld [smem:$0x3F96];
	s0 =	simm.s32 @p0 $0x1  }
0x13: {  	[smem:$0x3FB1] =	sst s0;
	s0 =	simm.s32 @!p1 $0x0  }
0x14: {  	s2 =	sld [smem:$0x3F95];
	s0 =	simm.s32 @p1 $0x1  }
0x15: {  	[smem:$0x3FB2] =	sst s0;
	s0 =	simm.s32 @!p2 $0x0  }
0x16: {  	s3 =	sld [smem:$0x3FDB];
	s0 =	simm.s32 @p2 $0x1  }
0x17: {  	s4 =	simm.s32 $0x1BF5;
	[smem:$0x3FB4] =	sst s0  }
0x18: {  	s0 =	sld [smem:$0x3F97];
	_ =	swait.ge [sflag:s4], $0x0  }
0x19: {  	s7 =	sld [smem:$0x3F98]  }
0x1a: {  	s8 =	sadd.s32 $0xFFFFE003, lr  }
0x1b: {  	s9 =	sadd.s32 $0xFFFFFEF7, lr;
	s5 =	simm.s32 $0xFFFFFFFF;
	p2 =	slt.u32 s8, $0xFFFFF086  }
0x1c: {  	p1 =	slt.u32 s9, $0xF7A;
	s5 =	simm.s32 @!p2 $0x0  }
0x1d: {  	s5 =	simm.s32 @p1 $0x1;
	p0 =	seq.s32 s7, s2  }
0x1e: {  	s7 =	smul.u32 @!p0 $0xF7A, s2;
	p2 =	seq.s32 @!p0 s5, $0x0  }
0x1f: {  	s9 =	smul.u32 $0xF7A, s1;
	s8 =	simm.s32 @!p0 $0x1BF5;
	p2 =	por !p2, p0  }
0x20: {  	[sflag:s8] =	ssyncset.s32 @!p0 $0xFFFFF086;
	s6 =	sadd.s32 @!p0 s3, s7;
	s7 =	simm.s32 @!p0 $0x108  }
0x21: {  	s3 =	sadd.s32 s3, s9;
	s6 =	sadd.s32 @!p0 $0x88, s6;
	s7 =	simm.s32 @p2 $0x1082  }
0x22: {  	[simem:s7], [sflag:s8] =	dma.local @!p0 [hbm:s6], $0xF7A  }
0x23: {  	s9 =	sor.u32 $0xD0000000, s2;
	s6 =	simm.s32 $0x108;
	_ =	swait.ge @!p0 [sflag:s8], $0x0  }
0x24: {  	s3 =	sadd.s32 $0x88, s3;
	s6 =	simm.s32 @!p1 $0x1082;
	[sflag:s4] =	ssyncset.s32 $0xFFFFF086  }
0x25: {  	[simem:s6], [sflag:s4] =	dma.local [hbm:s3], $0xF7A  }
0x26: {  	[smem:$0x3F98] =	sst s1;
	(tag) =	ssettag s2;
	_ =	strace s9  }
0x27: {  	s1 =	sld [smem:$0x3FA8]  }
0x28: {  	s2 =	sld [smem:$0x3FA9]  }
0x29: {  	s4 =	sld [smem:$0x3FAB]  }
0x2a: {  	p0 =	seq.s32 s5, $0x0;
	s5 =	sld [smem:$0x3FAC]  }
0x2b: {  	s6 =	sld [smem:$0x3FAD]  }
0x2c: {  	s7 =	sld [smem:$0x3FAE]  }
0x2d: {  	s3 =	simm.s32 $0x108;
	s8 =	sld [smem:$0x3FAF]  }
0x2e: {  	s3 =	simm.s32 @!p0 $0x1082;
	s9 =	sld [smem:$0x3FB0]  }
0x2f: {  	lr =	sadd.s32 s0, s3;
	s0 =	sld [smem:$0x3FA7]  }
0x30: {  	s3 =	sld [smem:$0x3FAA]  }
0x31: {  	[smem:$0x3FB3] =	sst s10  }
0x32: {  	s10 =	sld [smem:$0x3FB1];
	_ =	sdelay $0x3  }
0x33: {  	p0 =	seq.s32 s10, $0x1;
	s10 =	sld [smem:$0x3FB3];
	_ =	sdelay $0x3  }
0x34: {  	[smem:$0x3FB3] =	sst s10  }
0x35: {  	s10 =	sld [smem:$0x3FB2];
	_ =	sdelay $0x3  }
0x36: {  	p1 =	seq.s32 s10, $0x1;
	s10 =	sld [smem:$0x3FB3];
	_ =	sdelay $0x3  }
0x37: {  	[smem:$0x3FB3] =	sst s10  }
0x38: {  	s10 =	sld [smem:$0x3FB4]  }
0x39: {  	_ = 	snop;
	(pc) =	sbr.ind lr, $3  }
0x3a: {  	_ = 	snop  }
0x3b: {  	_ = 	snop  }
0x3c: {  	p2 =	seq.s32 s10, $0x1;
	s10 =	sld [smem:$0x3FB3]  }
0x3d: {  	_ =	shalt  }
0x3e: {  	_ =	shalt  }
0x3f: {  	_ =	shalt  }
0x40: {  	_ =	shalt  }
0x41: {  	_ =	shalt  }
0x42: {  	_ =	shalt  }
0x43: {  	_ =	shalt  }
0x44: {  	_ =	shalt  }
0x45: {  	_ =	shalt  }
0x46: {  	_ =	shalt  }
0x47: {  	_ =	shalt  }
0x48: {  	_ =	shalt  }
0x49: {  	_ =	shalt  }
0x4a: {  	_ =	shalt  }
0x4b: {  	_ =	shalt  }
0x4c: {  	_ =	shalt  }
0x4d: {  	_ =	shalt  }
0x4e: {  	_ =	shalt  }
0x4f: {  	_ =	shalt  }
0x50: {  	_ =	shalt  }
0x51: {  	_ =	shalt  }
0x52: {  	_ =	shalt  }
0x53: {  	_ =	shalt  }
0x54: {  	_ =	shalt  }
0x55: {  	_ =	shalt  }
0x56: {  	_ =	shalt  }
0x57: {  	_ =	shalt  }
0x58: {  	_ =	shalt  }
0x59: {  	_ =	shalt  }
0x5a: {  	_ =	shalt  }
0x5b: {  	_ =	shalt  }
0x5c: {  	_ =	shalt  }
0x5d: {  	_ =	shalt  }
0x5e: {  	_ =	shalt  }
0x5f: {  	_ =	shalt  }
0x60: {  	_ =	shalt  }
0x61: {  	_ =	shalt  }
0x62: {  	_ =	shalt  }
0x63: {  	_ =	shalt  }
0x64: {  	_ =	shalt  }
0x65: {  	_ =	shalt  }
0x66: {  	_ =	shalt  }
0x67: {  	_ =	shalt  }
0x68: {  	_ =	shalt  }
0x69: {  	_ =	shalt  }
0x6a: {  	_ =	shalt  }
0x6b: {  	_ =	shalt  }
0x6c: {  	_ =	shalt  }
0x6d: {  	_ =	shalt  }
0x6e: {  	_ =	shalt  }
0x6f: {  	_ =	shalt  }
0x70: {  	_ =	shalt  }
0x71: {  	_ =	shalt  }
0x72: {  	_ =	shalt  }
0x73: {  	_ =	shalt  }
0x74: {  	_ =	shalt  }
0x75: {  	_ =	shalt  }
0x76: {  	_ =	shalt  }
0x77: {  	_ =	shalt  }
0x78: {  	_ =	shalt  }
0x79: {  	_ =	shalt  }
0x7a: {  	_ =	shalt  }
0x7b: {  	_ =	shalt  }
0x7c: {  	_ =	shalt  }
0x7d: {  	_ =	shalt  }
0x7e: {  	_ =	shalt  }
0x7f: {  	_ =	shalt  }
0x80: {  	_ =	shalt  }
0x81: {  	_ =	shalt  }
0x82: {  	_ =	shalt  }
0x83: {  	_ =	shalt  }
0x84: {  	_ =	shalt  }
0x85: {  	_ =	shalt  }
0x86: {  	_ =	shalt  }
0x87: {  	_ =	shalt  }
.Lfunc_end0:
.L_simem_size_0:
called_computation.1_lowered:
.L_overlay_start_0:
0x88: {  	s2 =	sld [smem:$0x3FD9]  }
0x89: {  	s3 =	sld [smem:$0x3FFE];
	_ =	sdelay $0x1  }
0x8a: {  	s1 =	srdreg.scid  }
0x8b: {  	s0 =	sand.u32 $0x1, s1  }
0x8c: {  	s17 =	sshll.u32 s0, $0xA;
	s2 =	sadd.s32 s3, s2  }
0x8d: {  	s2 =	sadd.s32 s2, s17  }
0x8e: {  	[smem:$0x3FBF] =	sst s2  }
0x8f: {  	_ = 	snop  }
0x90: {  	s2 =	sld [smem:$0x3FD0];
	(tm) =	ssettm $0x1  }
0x91: {  	s18 =	sld [smem:$0x3FFB];
	_ =	sdelay $0x3  }
0x92: {  	_ =	strace s18  }
0x93: {  	s3 =	sld [smem:$0x3FFC];
	_ =	sdelay $0x3  }
0x94: {  	_ =	strace s3  }
0x95: {  	s3 =	sld [smem:$0x3FFD];
	_ =	sdelay $0x3  }
0x96: {  	_ =	strace s3  }
0x97: {  	_ =	strace $0x8FFFFFFF  }
0x98: {  	s19 =	sld [smem:$0x3FDB];
	_ =	sdelay $0x1  }
0x99: {  	s4 =	simm.s32 $_scs_section_size  }
0x9a: {  	s5 =	simm.s32 $_size__tile_overlayer_lowered;
	s6 =	simm.s32 $_tile_overlayer_lowered  }
0x9b: {  	s22 =	simm.s32 $0x1BFF;
	s21 =	sshll.u32 s6, $0x1;
	s3 =	sadd.s32 s4, s19  }
0x9c: {  	s7 =	simm.s32 $0x0;
	s20 =	sshll.u32 s5, $0x1;
	s5 =	sadd.s32 s21, s3  }
0x9d: {  	[timem:s7], [sflag:s22] =	dma.local [hbm:s5], s20  }
0x9e: {  	_ =	swait.ge [sflag:s22], s20  }
0x9f: {  	s4 =	ssub.s32 $0x0, s20;
	[sflag:s22] =	ssyncset.done $0x0  }
0xa0: {  	[sflag:s22] =	ssyncadd.s32 s4;
	_ =	sdelay $0x1  }
0xa1: {  	s23 =	simm.s32 $0x1B8B  }
0xa2: {  	_ =	swait.ge [sflag:s23], $0x1  }
0xa3: {  	[sflag:s23] =	ssyncset.done $0x0  }
0xa4: {  	s25 =	simm.s32 $0x1B8E;
	s24 =	sld [smem:$0x3FFE];
	[sflag:s23] =	ssyncadd.s32 $0xFFFFFFFF  }
0xa5: {  	s26 =	simm.s32 $execute0_lowered;
	[smem:$0x3FD2] =	sst s25  }
0xa6: {  	s5 =	sshll.u32 s26, $0x1;
	_ =	strace $0x80000049;
	[dreg:$0x1] =	wrdreg $0xFFFFFFFF  }
0xa7: {  	s28 =	simm.s32 $_size_execute0_lowered;
	s3 =	sadd.s32 s3, s5;
	[dreg:$0x0] =	wrdreg $0x0  }
0xa8: {  	s5 =	sshll.u32 s28, $0x1;
	[dreg:$0x2] =	wrdreg s3  }
0xa9: {  	[dreg:$0x3] =	wrdreg s5  }
0xaa: {  	[dreg:$0x4] =	wrdreg $0xC0  }
0xab: {  	_ =	task [dreg:s7], $0x5FFFF  }
0xac: {  	[dreg:$0x1] =	wrdreg $0xFFFFFFFF  }
0xad: {  	[dreg:$0x0] =	wrdreg $0x60  }
0xae: {  	[dreg:$0x2] =	wrdreg s24  }
0xaf: {  	[dreg:$0x3] =	wrdreg s2  }
0xb0: {  	[dreg:$0x4] =	wrdreg $0x11D000  }
0xb1: {  	[dreg:$0x5] =	wrdreg $0x9  }
0xb2: {  	_ =	task.clear_ibuf [dreg:s7], $0x6FFFF;
	_ =	strace $0x90000049  }
0xb3: {  	s29 =	simm.s32 $0x9;
	_ =	strace $0x8000004B  }
0xb4: {  	_ =	swait.ge [sflag:s29], $0x1  }
0xb5: {  	[sflag:s29] =	ssyncadd.s32 $0xFFFFFFFF  }
0xb6: {  	_ =	strace $0x9000004B  }
0xb7: {  	_ =	sfence  }
0xb8: {  	s30 =	sld [smem:$0x0];
	_ =	sdelay $0x2  }
0xb9: {  	s31 =	sshll.u32 s1, $0xD;
	s1 =	sshrl.u32 s1, $0x2  }
0xba: {  	s3 =	sand.u32 $0x4000, s31;
	s1 =	sadd.s32 s1, s30  }
0xbb: {  	s0 =	sor.u32 s3, s0;
	s1 =	sshll.u32 s1, $0x11  }
0xbc: {  	s0 =	sor.u32 s1, s0  }
0xbd: {  	s0 =	sadd.s32 $0x8F2B, s0  }
0xbe: {  	[sflag:s0] =	ssyncadd.remote.s32 $0x1  }
0xbf: {  	_ =	sfence.sel $0xFFFF  }
0xc0: {  	[dreg:$0x0] =	wrdreg $0xFFFFFFFF;
	(pc) =	sbr.abs _section_cstart, $3  }
0xc1: {  	[dreg:$0x1] =	wrdreg $0xFFFFFFFF  }
0xc2: {  	_ =	task.clear_ibuf [dreg:s7], $0x2FFFF;
	_ =	strace $0x9FFFFFFF  }
0xc3: {  	(tm) =	ssettm $0x7FFFFFFF  }
tec
execute0_lowered:
.L_overlay_start_1:
0x0: {  	(tag) =	ssettag $0x1  }
0x1: {  	s5 =	rddreg [dreg:$0x0]  }
0x2: {  	s6 =	rddreg [dreg:$0x1]  }
0x3: {  	s2 =	rddreg [dreg:$0x2];
	s4 =	srdreg.scid  }
0x4: {  	s1 =	stileid.u32;
	s3 =	simm.s32 $0x0;
	s12 =	simm.s32 $0x7D  }
0x5: {  	s13 =	simm.s32 $0xA000;
	s14 =	simm.s32 $0x80;
	s15 =	simm.s32 $0xBF40  }
0x6: {  	s16 =	simm.s32 $0x2800;
	s17 =	simm.s32 $0xDE80;
	s18 =	simm.s32 $0x2880  }
0x7: {  	s19 =	simm.s32 $0xFDC0;
	s20 =	simm.s32 $0x1;
	s21 =	simm.s32 $0x2  }
0x8: {  	s22 =	simm.s32 $0x3;
	s23 =	simm.s32 $0x4;
	s24 =	simm.s32 $0x7700  }
0x9: {  	s25 =	simm.s32 $0x7780;
	s28 =	simm.s32 $0x9F80;
	s29 =	simm.s32 $0x0  }
0xa: {  	s4 =	sand.u32 $0x1, s4;
	s7 =	smul.u32 $0xA000, s1;
	[smem:$0x7FF] =	sst s3  }
0xb: {  	s31 =	sshll.u32 s1, $0x6;
	s8 =	sshll.u32 s4, $0x4;
	s9 =	smul.u32 $0xA0000, s4  }
0xc: {  	_ =	strace $0x8000004A;
	s10 =	ssub.s32 $0x2, s4;
	s4 =	sadd.s32 $0x29600, s5  }
0xd: {  	s8 =	sor.u32 s1, s8;
	s11 =	sshrl.u32 s10, $0x1;
	s26 =	sadd.s32 s7, s2  }
0xe: {  	s30 =	sshrl.u32 s7, $0x3;
	s8 =	smul.u32 $0x1400, s8;
	s9 =	sadd.s32 s7, s9  }
0xf: {  	s10 =	ssub.s32 s10, s11;
	s11 =	simm.s32 $0x5;
	s9 =	sshrl.u32 s9, $0x3  }
0x10: {  	s8 =	sadd.s32 s8, s5;
	s9 =	sadd.s32 s9, s5;
	s5 =	sadd.s32 s6, s30  }
0x11: {  	s6 =	sor.u32 $0x1C05, s31;
	s7 =	sadd.s32 $0x1600, s8;
	s8 =	sadd.s32 $0x189000, s9  }
0x12: {  	s9 =	smax.u32 s10, $0x1;
	s10 =	sshrl.u32 s26, $0x3;
	s26 =	simm.s32 $0x9F00  }
.LBB2_1:
0x13: {  	[spmem:s10], [sflag:s6] =	dma.local [hbm:s5], $0x1400  }
0x14: {  	_ =	swait.ge [sflag:s11], $0x1400  }
0x15: {  	[sflag:s11] =	ssyncset.done $0x0  }
0x16: {  	[sflag:s11] =	ssyncadd.s32 $0xFFFFEC00  }
0x17: {  	[tilespmem:s3], [sflag:$0x5] =	stream.linear.gather [hbm4b:s7+s3], $0xA000, $0x38;
	[tilespmem:$0x1BD00] =	vst v63  }
0x18: {  	_ =	swait.ge [sflag:s11], $0xA000  }
0x19: {  	[sflag:s11] =	ssyncset.done $0x0  }
0x1a: {  	[sflag:s11] =	ssyncadd.s32 $0xFFFF6000  }
0x1b: {  	[bflag:$0x0] =	sbarrier.arrive $0xFFFF  }
0x1c: {  	[tilespmem:s13], [sflag:$0x1] =	stream.indirect.gather [hbm4b:s4+s12], $0x40, s3, s12, $0xb8;
	[tilespmem:$0x1BD00] =	vst v63  }
0x1d: {  	_ = 	snop  }
0x1e: {  	[tilespmem:s15], [sflag:$0x2] =	stream.indirect.gather [hbm4b:s4+s12], $0x40, s14, s12, $0xb8;
	[tilespmem:$0x1BD00] =	vst v63  }
0x1f: {  	_ = 	snop  }
0x20: {  	[tilespmem:s17], [sflag:$0x3] =	stream.indirect.gather [hbm4b:s4+s12], $0x40, s16, s12, $0xb8;
	[tilespmem:$0x1BD00] =	vst v63  }
0x21: {  	_ = 	snop  }
0x22: {  	[tilespmem:s19], [sflag:$0x4] =	stream.indirect.gather [hbm4b:s4+s12], $0x40, s18, s12, $0xb8;
	[tilespmem:$0x1BD00] =	vst v63  }
0x23: {  	_ =	swait.ge [sflag:s20], $0x1F40  }
0x24: {  	[sflag:s20] =	ssyncset.done $0x0  }
0x25: {  	s30 =	simm.s32 $0x5000;
	[sflag:s20] =	ssyncadd.s32 $0xFFFFE0C0  }
0x26: {  	[spmem:s2] =	stream.indirect.scatter.add.f32 [tilespmem:s13], [sflag:$0x5], $0x40, s30, s12, $0xb8;
	[tilespmem:$0x1BD00] =	vst v63  }
0x27: {  	_ =	swait.ge [sflag:s11], $0x1F40  }
0x28: {  	[sflag:s11] =	ssyncset.done $0x0  }
0x29: {  	s30 =	simm.s32 $0x100;
	[sflag:s11] =	ssyncadd.s32 $0xFFFFE0C0  }
0x2a: {  	[tilespmem:s13], [sflag:$0x1] =	stream.indirect.gather [hbm4b:s4+s12], $0x40, s30, s12, $0xb8;
	[tilespmem:$0x1BD00] =	vst v63  }
0x2b: {  	_ =	swait.ge [sflag:s21], $0x1F40  }
0x2c: {  	[sflag:s21] =	ssyncset.done $0x0  }
0x2d: {  	s30 =	simm.s32 $0x5080;
	[sflag:s21] =	ssyncadd.s32 $0xFFFFE0C0  }
0x2e: {  	[spmem:s2] =	stream.indirect.scatter.add.f32 [tilespmem:s15], [sflag:$0x5], $0x40, s30, s12, $0xb8;
	[tilespmem:$0x1BD00] =	vst v63  }
0x2f: {  	_ =	swait.ge [sflag:s11], $0x1F40  }
0x30: {  	[sflag:s11] =	ssyncset.done $0x0  }
0x31: {  	s30 =	simm.s32 $0x180;
	[sflag:s11] =	ssyncadd.s32 $0xFFFFE0C0  }
0x32: {  	[tilespmem:s15], [sflag:$0x2] =	stream.indirect.gather [hbm4b:s4+s12], $0x40, s30, s12, $0xb8;
	[tilespmem:$0x1BD00] =	vst v63  }
0x33: {  	_ =	swait.ge [sflag:s22], $0x1F40  }
0x34: {  	[sflag:s22] =	ssyncset.done $0x0  }
0x35: {  	s30 =	simm.s32 $0x7800;
	[sflag:s22] =	ssyncadd.s32 $0xFFFFE0C0  }
0x36: {  	[spmem:s2] =	stream.indirect.scatter.add.f32 [tilespmem:s17], [sflag:$0x5], $0x40, s30, s12, $0xb8;
	[tilespmem:$0x1BD00] =	vst v63  }
0x37: {  	_ =	swait.ge [sflag:s11], $0x1F40  }
0x38: {  	[sflag:s11] =	ssyncset.done $0x0  }
0x39: {  	s30 =	simm.s32 $0x2900;
	[sflag:s11] =	ssyncadd.s32 $0xFFFFE0C0  }
0x3a: {  	[tilespmem:s17], [sflag:$0x3] =	stream.indirect.gather [hbm4b:s4+s12], $0x40, s30, s12, $0xb8;
	[tilespmem:$0x1BD00] =	vst v63  }
0x3b: {  	_ =	swait.ge [sflag:s23], $0x1F40  }
0x3c: {  	[sflag:s23] =	ssyncset.done $0x0  }
0x3d: {  	s30 =	simm.s32 $0x7880;
	[sflag:s23] =	ssyncadd.s32 $0xFFFFE0C0  }
0x3e: {  	[spmem:s2] =	stream.indirect.scatter.add.f32 [tilespmem:s19], [sflag:$0x5], $0x40, s30, s12, $0xb8;
	[tilespmem:$0x1BD00] =	vst v63  }
0x3f: {  	_ =	swait.ge [sflag:s11], $0x1F40  }
0x40: {  	[sflag:s11] =	ssyncset.done $0x0  }
0x41: {  	s31 =	simm.s32 $0x2980;
	s30 =	simm.s32 $0x400;
	[sflag:s11] =	ssyncadd.s32 $0xFFFFE0C0  }
.LBB2_2:
0x42: {  	[tilespmem:s19], [sflag:$0x4] =	stream.indirect.gather [hbm4b:s4+s12], $0x40, s31, s12, $0xb8;
	[tilespmem:$0x1BD00] =	vst v63  }
0x43: {  	s31 =	smov.u32 s30  }
0x44: {  	p0 =	sne.s32 s30, $0x9800;
	s30 =	sadd.s32 $0x400, s30;
	_ =	swait.ge [sflag:s20], $0x1F40  }
0x45: {  	s31 =	sshra.s32 s31, $0x2;
	[sflag:s20] =	ssyncset.done $0x0  }
0x46: {  	s0 =	sadd.s32 $0x5000, s31;
	[sflag:s20] =	ssyncadd.s32 $0xFFFFE0C0  }
0x47: {  	[spmem:s2] =	stream.indirect.scatter.add.f32 [tilespmem:s13], [sflag:$0x5], $0x40, s0, s12, $0xb8;
	[tilespmem:$0x1BD00] =	vst v63  }
0x48: {  	_ =	swait.ge [sflag:s11], $0x1F40  }
0x49: {  	[sflag:s11] =	ssyncset.done $0x0  }
0x4a: {  	s0 =	sadd.s32 $0x100, s31;
	[sflag:s11] =	ssyncadd.s32 $0xFFFFE0C0  }
0x4b: {  	[tilespmem:s13], [sflag:$0x1] =	stream.indirect.gather [hbm4b:s4+s12], $0x40, s0, s12, $0xb8;
	[tilespmem:$0x1BD00] =	vst v63  }
0x4c: {  	_ =	swait.ge [sflag:s21], $0x1F40  }
0x4d: {  	[sflag:s21] =	ssyncset.done $0x0  }
0x4e: {  	s0 =	sadd.s32 $0x5080, s31;
	[sflag:s21] =	ssyncadd.s32 $0xFFFFE0C0  }
0x4f: {  	[spmem:s2] =	stream.indirect.scatter.add.f32 [tilespmem:s15], [sflag:$0x5], $0x40, s0, s12, $0xb8;
	[tilespmem:$0x1BD00] =	vst v63  }
0x50: {  	_ =	swait.ge [sflag:s11], $0x1F40  }
0x51: {  	[sflag:s11] =	ssyncset.done $0x0  }
0x52: {  	s0 =	sadd.s32 $0x180, s31;
	[sflag:s11] =	ssyncadd.s32 $0xFFFFE0C0  }
0x53: {  	[tilespmem:s15], [sflag:$0x2] =	stream.indirect.gather [hbm4b:s4+s12], $0x40, s0, s12, $0xb8;
	[tilespmem:$0x1BD00] =	vst v63  }
0x54: {  	_ =	swait.ge [sflag:s22], $0x1F40  }
0x55: {  	[sflag:s22] =	ssyncset.done $0x0  }
0x56: {  	s0 =	sadd.s32 $0x7800, s31;
	[sflag:s22] =	ssyncadd.s32 $0xFFFFE0C0  }
0x57: {  	[spmem:s2] =	stream.indirect.scatter.add.f32 [tilespmem:s17], [sflag:$0x5], $0x40, s0, s12, $0xb8;
	[tilespmem:$0x1BD00] =	vst v63  }
0x58: {  	_ =	swait.ge [sflag:s11], $0x1F40  }
0x59: {  	[sflag:s11] =	ssyncset.done $0x0  }
0x5a: {  	s0 =	sadd.s32 $0x2900, s31;
	[sflag:s11] =	ssyncadd.s32 $0xFFFFE0C0  }
0x5b: {  	[tilespmem:s17], [sflag:$0x3] =	stream.indirect.gather [hbm4b:s4+s12], $0x40, s0, s12, $0xb8;
	[tilespmem:$0x1BD00] =	vst v63  }
0x5c: {  	_ =	swait.ge [sflag:s23], $0x1F40  }
0x5d: {  	[sflag:s23] =	ssyncset.done $0x0  }
.Ltmp0:
0x5e: {  	s0 =	sadd.s32 $0x7880, s31;
	[sflag:s23] =	ssyncadd.s32 $0xFFFFE0C0;
	(pc) =	sbr.rel @p0 .LBB2_2-.Ltmp0, $4  }
0x5f: {  	[spmem:s2] =	stream.indirect.scatter.add.f32 [tilespmem:s19], [sflag:$0x5], $0x40, s0, s12, $0xb8;
	[tilespmem:$0x1BD00] =	vst v63  }
0x60: {  	_ =	swait.ge [sflag:s11], $0x1F40  }
0x61: {  	[sflag:s11] =	ssyncset.done $0x0  }
0x62: {  	s31 =	sadd.s32 $0x2980, s31;
	[sflag:s11] =	ssyncadd.s32 $0xFFFFE0C0  }
0x63: {  	[tilespmem:s19], [sflag:$0x4] =	stream.indirect.gather [hbm4b:s4+s12], $0x40, s31, s12, $0xb8;
	[tilespmem:$0x1BD00] =	vst v63  }
0x64: {  	_ =	swait.ge [sflag:s20], $0x1F40  }
0x65: {  	[sflag:s20] =	ssyncset.done $0x0  }
0x66: {  	[sflag:s20] =	ssyncadd.s32 $0xFFFFE0C0  }
0x67: {  	[spmem:s2] =	stream.indirect.scatter.add.f32 [tilespmem:s13], [sflag:$0x5], $0x40, s24, s12, $0xb8;
	[tilespmem:$0x1BD00] =	vst v63  }
0x68: {  	_ =	swait.ge [sflag:s11], $0x1F40  }
0x69: {  	[sflag:s11] =	ssyncset.done $0x0  }
0x6a: {  	[sflag:s11] =	ssyncadd.s32 $0xFFFFE0C0  }
0x6b: {  	[tilespmem:s13], [sflag:$0x1] =	stream.indirect.gather [hbm4b:s4+s12], $0x40, s3, s12, $0xb8;
	[tilespmem:$0x1BD00] =	vst v63  }
0x6c: {  	_ =	swait.ge [sflag:s21], $0x1F40  }
0x6d: {  	[sflag:s21] =	ssyncset.done $0x0  }
0x6e: {  	[sflag:s21] =	ssyncadd.s32 $0xFFFFE0C0  }
0x6f: {  	[spmem:s2] =	stream.indirect.scatter.add.f32 [tilespmem:s15], [sflag:$0x5], $0x40, s25, s12, $0xb8;
	[tilespmem:$0x1BD00] =	vst v63  }
0x70: {  	_ =	swait.ge [sflag:s11], $0x1F40  }
0x71: {  	[sflag:s11] =	ssyncset.done $0x0  }
0x72: {  	[sflag:s11] =	ssyncadd.s32 $0xFFFFE0C0  }
0x73: {  	[tilespmem:s15], [sflag:$0x2] =	stream.indirect.gather [hbm4b:s4+s12], $0x40, s14, s12, $0xb8;
	[tilespmem:$0x1BD00] =	vst v63  }
0x74: {  	_ =	swait.ge [sflag:s22], $0x1F40  }
0x75: {  	[sflag:s22] =	ssyncset.done $0x0  }
0x76: {  	[sflag:s22] =	ssyncadd.s32 $0xFFFFE0C0  }
0x77: {  	[spmem:s2] =	stream.indirect.scatter.add.f32 [tilespmem:s17], [sflag:$0x5], $0x40, s26, s12, $0xb8;
	[tilespmem:$0x1BD00] =	vst v63  }
0x78: {  	_ =	swait.ge [sflag:s11], $0x1F40  }
0x79: {  	[sflag:s11] =	ssyncset.done $0x0  }
0x7a: {  	[sflag:s11] =	ssyncadd.s32 $0xFFFFE0C0  }
0x7b: {  	[tilespmem:s17], [sflag:$0x3] =	stream.indirect.gather [hbm4b:s4+s12], $0x40, s16, s12, $0xb8;
	[tilespmem:$0x1BD00] =	vst v63  }
0x7c: {  	_ =	swait.ge [sflag:s23], $0x1F40  }
0x7d: {  	[sflag:s23] =	ssyncset.done $0x0  }
0x7e: {  	[sflag:s23] =	ssyncadd.s32 $0xFFFFE0C0  }
0x7f: {  	[spmem:s2] =	stream.indirect.scatter.add.f32 [tilespmem:s19], [sflag:$0x5], $0x40, s28, s12, $0xb8;
	[tilespmem:$0x1BD00] =	vst v63  }
0x80: {  	_ =	swait.ge [sflag:s11], $0x1F40  }
0x81: {  	[sflag:s11] =	ssyncset.done $0x0  }
0x82: {  	[sflag:s11] =	ssyncadd.s32 $0xFFFFE0C0  }
0x83: {  	[tilespmem:s19], [sflag:$0x4] =	stream.indirect.gather [hbm4b:s4+s12], $0x40, s18, s12, $0xb8;
	[tilespmem:$0x1BD00] =	vst v63  }
0x84: {  	_ =	swait.ge [sflag:s20], $0x1F40  }
0x85: {  	[sflag:s20] =	ssyncset.done $0x0  }
0x86: {  	[sflag:s20] =	ssyncadd.s32 $0xFFFFE0C0  }
0x87: {  	_ =	swait.ge [sflag:s21], $0x1F40  }
0x88: {  	[sflag:s21] =	ssyncset.done $0x0  }
0x89: {  	[sflag:s21] =	ssyncadd.s32 $0xFFFFE0C0  }
0x8a: {  	_ =	swait.ge [sflag:s22], $0x1F40  }
0x8b: {  	[sflag:s22] =	ssyncset.done $0x0  }
0x8c: {  	[sflag:s22] =	ssyncadd.s32 $0xFFFFE0C0  }
0x8d: {  	_ =	swait.ge [sflag:s23], $0x1F40  }
0x8e: {  	s29 =	sadd.s32 $0x1, s29;
	[sflag:s23] =	ssyncset.done $0x0  }
0x8f: {  	p0 =	sne.s32 s29, s9;
	[sflag:s23] =	ssyncadd.s32 $0xFFFFE0C0  }
.Ltmp1:
0x90: {  	[bflag:$0x0] =	sbarrier.arrive $0xFFFF;
	(pc) =	sbr.rel @p0 .LBB2_1-.Ltmp1, $4  }
0x91: {  	[hbm:s8], [sflag:s6] =	dma.local [spmem:s10], $0x1400  }
0x92: {  	_ =	swait.ge [sflag:s11], $0x1400  }
0x93: {  	[sflag:s11] =	ssyncset.done $0x0  }
0x94: {  	[sflag:s11] =	ssyncadd.s32 $0xFFFFEC00  }
0x95: {  	_ =	sfence.sel $0x180000  }
0x96: {  	[bflag:$0x0] =	sbarrier.arrive $0xFFFF  }
0x97: {  	_ =	strace $0x9000004A  }
0x98: {  	[bflag:$0x2] =	sbarrier.arrive $0xFFFF  }
0x99: {  	p0 =	sne.s32 s1, $0x0;
	s0 =	rddreg [dreg:$0x3]  }
0x9a: {  	s0 =	sadd.s32 @!p0 $0x100000, s0  }
0x9b: {  	[sflag:s0] =	ssyncadd.tile.s32 @!p0 $0x1;
	_ =	shalt  }
.Lfunc_end2:
_tile_overlayer_lowered:
.L_overlay_start_2:
0x9c: {  	(tag) =	ssettag $0x2  }
0x9d: {  	s0 =	rddreg [dreg:$0x0];
	s2 =	stileid.u32  }
0x9e: {  	s1 =	rddreg [dreg:$0x1];
	p0 =	sne.s32 s2, $0x0  }
0x9f: {  	s3 =	rddreg [dreg:$0x2];
	[bflag:$0x3] =	sbarrier.arrive $0xFFFF;
	s2 =	simm.s32 @!p0 $0x1C05  }
0xa0: {  	[timem:s3], [sflag:s2] =	dma.local @!p0 [hbm:s0], s1  }
0xa1: {  	s0 =	simm.s32 @!p0 $0x5  }
0xa2: {  	_ =	swait.ge @!p0 [sflag:s0], s1  }
0xa3: {  	s1 =	ssub.s32 @!p0 $0x0, s1;
	[sflag:s0] =	ssyncset.done @!p0 $0x0  }
0xa4: {  	[sflag:s0] =	ssyncadd.s32 @!p0 s1  }
0xa5: {  	[bflag:$0x3] =	sbarrier.arrive $0xFFFF  }
0xa6: {  	_ =	shalt  }

// kernel: kernel.7.cloned.1.call-start
scs
__scs_entry_jumppad:
0x0: {  	(pc) =	sbr.rel $0x88, $3  }
0x1: {  	(tag) =	ssettag $0x0;
	lr =	simm.s32 $0x1  }
0x2: {  	[smem:$0x3F98] =	sst lr;
	_ =	strace $0xD0000000  }
0x3: {  	_ = 	snop  }
0x4: {  	_ = 	snop  }
0x5: {  	_ = 	snop  }
0x6: {  	_ = 	snop  }
0x7: {  	_ = 	snop  }
__scs_overlays_trampoline_lowered:
0x8: {  	[smem:$0x3FA7] =	sst s0  }
0x9: {  	[smem:$0x3FA8] =	sst s1  }
0xa: {  	[smem:$0x3FA9] =	sst s2  }
0xb: {  	[smem:$0x3FAA] =	sst s3  }
0xc: {  	[smem:$0x3FAB] =	sst s4  }
0xd: {  	[smem:$0x3FAC] =	sst s5  }
0xe: {  	[smem:$0x3FAD] =	sst s6  }
0xf: {  	[smem:$0x3FAE] =	sst s7  }
0x10: {  	[smem:$0x3FAF] =	sst s8  }
0x11: {  	[smem:$0x3FB0] =	sst s9;
	s0 =	simm.s32 @!p0 $0x0  }
0x12: {  	s1 =	sld [smem:$0x3F96];
	s0 =	simm.s32 @p0 $0x1  }
0x13: {  	[smem:$0x3FB1] =	sst s0;
	s0 =	simm.s32 @!p1 $0x0  }
0x14: {  	s2 =	sld [smem:$0x3F95];
	s0 =	simm.s32 @p1 $0x1  }
0x15: {  	[smem:$0x3FB2] =	sst s0;
	s0 =	simm.s32 @!p2 $0x0  }
0x16: {  	s3 =	sld [smem:$0x3FDB];
	s0 =	simm.s32 @p2 $0x1  }
0x17: {  	s4 =	simm.s32 $0x1BF5;
	[smem:$0x3FB4] =	sst s0  }
0x18: {  	s0 =	sld [smem:$0x3F97];
	_ =	swait.ge [sflag:s4], $0x0  }
0x19: {  	s7 =	sld [smem:$0x3F98]  }
0x1a: {  	s8 =	sadd.s32 $0xFFFFE003, lr  }
0x1b: {  	s9 =	sadd.s32 $0xFFFFFEF7, lr;
	s5 =	simm.s32 $0xFFFFFFFF;
	p2 =	slt.u32 s8, $0xFFFFF086  }
0x1c: {  	p1 =	slt.u32 s9, $0xF7A;
	s5 =	simm.s32 @!p2 $0x0  }
0x1d: {  	s5 =	simm.s32 @p1 $0x1;
	p0 =	seq.s32 s7, s2  }
0x1e: {  	s7 =	smul.u32 @!p0 $0xF7A, s2;
	p2 =	seq.s32 @!p0 s5, $0x0  }
0x1f: {  	s9 =	smul.u32 $0xF7A, s1;
	s8 =	simm.s32 @!p0 $0x1BF5;
	p2 =	por !p2, p0  }
0x20: {  	[sflag:s8] =	ssyncset.s32 @!p0 $0xFFFFF086;
	s6 =	sadd.s32 @!p0 s3, s7;
	s7 =	simm.s32 @!p0 $0x108  }
0x21: {  	s3 =	sadd.s32 s3, s9;
	s6 =	sadd.s32 @!p0 $0x88, s6;
	s7 =	simm.s32 @p2 $0x1082  }
0x22: {  	[simem:s7], [sflag:s8] =	dma.local @!p0 [hbm:s6], $0xF7A  }
0x23: {  	s9 =	sor.u32 $0xD0000000, s2;
	s6 =	simm.s32 $0x108;
	_ =	swait.ge @!p0 [sflag:s8], $0x0  }
0x24: {  	s3 =	sadd.s32 $0x88, s3;
	s6 =	simm.s32 @!p1 $0x1082;
	[sflag:s4] =	ssyncset.s32 $0xFFFFF086  }
0x25: {  	[simem:s6], [sflag:s4] =	dma.local [hbm:s3], $0xF7A  }
0x26: {  	[smem:$0x3F98] =	sst s1;
	(tag) =	ssettag s2;
	_ =	strace s9  }
0x27: {  	s1 =	sld [smem:$0x3FA8]  }
0x28: {  	s2 =	sld [smem:$0x3FA9]  }
0x29: {  	s4 =	sld [smem:$0x3FAB]  }
0x2a: {  	p0 =	seq.s32 s5, $0x0;
	s5 =	sld [smem:$0x3FAC]  }
0x2b: {  	s6 =	sld [smem:$0x3FAD]  }
0x2c: {  	s7 =	sld [smem:$0x3FAE]  }
0x2d: {  	s3 =	simm.s32 $0x108;
	s8 =	sld [smem:$0x3FAF]  }
0x2e: {  	s3 =	simm.s32 @!p0 $0x1082;
	s9 =	sld [smem:$0x3FB0]  }
0x2f: {  	lr =	sadd.s32 s0, s3;
	s0 =	sld [smem:$0x3FA7]  }
0x30: {  	s3 =	sld [smem:$0x3FAA]  }
0x31: {  	[smem:$0x3FB3] =	sst s10  }
0x32: {  	s10 =	sld [smem:$0x3FB1];
	_ =	sdelay $0x3  }
0x33: {  	p0 =	seq.s32 s10, $0x1;
	s10 =	sld [smem:$0x3FB3];
	_ =	sdelay $0x3  }
0x34: {  	[smem:$0x3FB3] =	sst s10  }
0x35: {  	s10 =	sld [smem:$0x3FB2];
	_ =	sdelay $0x3  }
0x36: {  	p1 =	seq.s32 s10, $0x1;
	s10 =	sld [smem:$0x3FB3];
	_ =	sdelay $0x3  }
0x37: {  	[smem:$0x3FB3] =	sst s10  }
0x38: {  	s10 =	sld [smem:$0x3FB4]  }
0x39: {  	_ = 	snop;
	(pc) =	sbr.ind lr, $3  }
0x3a: {  	_ = 	snop  }
0x3b: {  	_ = 	snop  }
0x3c: {  	p2 =	seq.s32 s10, $0x1;
	s10 =	sld [smem:$0x3FB3]  }
0x3d: {  	_ =	shalt  }
0x3e: {  	_ =	shalt  }
0x3f: {  	_ =	shalt  }
0x40: {  	_ =	shalt  }
0x41: {  	_ =	shalt  }
0x42: {  	_ =	shalt  }
0x43: {  	_ =	shalt  }
0x44: {  	_ =	shalt  }
0x45: {  	_ =	shalt  }
0x46: {  	_ =	shalt  }
0x47: {  	_ =	shalt  }
0x48: {  	_ =	shalt  }
0x49: {  	_ =	shalt  }
0x4a: {  	_ =	shalt  }
0x4b: {  	_ =	shalt  }
0x4c: {  	_ =	shalt  }
0x4d: {  	_ =	shalt  }
0x4e: {  	_ =	shalt  }
0x4f: {  	_ =	shalt  }
0x50: {  	_ =	shalt  }
0x51: {  	_ =	shalt  }
0x52: {  	_ =	shalt  }
0x53: {  	_ =	shalt  }
0x54: {  	_ =	shalt  }
0x55: {  	_ =	shalt  }
0x56: {  	_ =	shalt  }
0x57: {  	_ =	shalt  }
0x58: {  	_ =	shalt  }
0x59: {  	_ =	shalt  }
0x5a: {  	_ =	shalt  }
0x5b: {  	_ =	shalt  }
0x5c: {  	_ =	shalt  }
0x5d: {  	_ =	shalt  }
0x5e: {  	_ =	shalt  }
0x5f: {  	_ =	shalt  }
0x60: {  	_ =	shalt  }
0x61: {  	_ =	shalt  }
0x62: {  	_ =	shalt  }
0x63: {  	_ =	shalt  }
0x64: {  	_ =	shalt  }
0x65: {  	_ =	shalt  }
0x66: {  	_ =	shalt  }
0x67: {  	_ =	shalt  }
0x68: {  	_ =	shalt  }
0x69: {  	_ =	shalt  }
0x6a: {  	_ =	shalt  }
0x6b: {  	_ =	shalt  }
0x6c: {  	_ =	shalt  }
0x6d: {  	_ =	shalt  }
0x6e: {  	_ =	shalt  }
0x6f: {  	_ =	shalt  }
0x70: {  	_ =	shalt  }
0x71: {  	_ =	shalt  }
0x72: {  	_ =	shalt  }
0x73: {  	_ =	shalt  }
0x74: {  	_ =	shalt  }
0x75: {  	_ =	shalt  }
0x76: {  	_ =	shalt  }
0x77: {  	_ =	shalt  }
0x78: {  	_ =	shalt  }
0x79: {  	_ =	shalt  }
0x7a: {  	_ =	shalt  }
0x7b: {  	_ =	shalt  }
0x7c: {  	_ =	shalt  }
0x7d: {  	_ =	shalt  }
0x7e: {  	_ =	shalt  }
0x7f: {  	_ =	shalt  }
0x80: {  	_ =	shalt  }
0x81: {  	_ =	shalt  }
0x82: {  	_ =	shalt  }
0x83: {  	_ =	shalt  }
0x84: {  	_ =	shalt  }
0x85: {  	_ =	shalt  }
0x86: {  	_ =	shalt  }
0x87: {  	_ =	shalt  }
.Lfunc_end0:
.L_simem_size_0:
called_computation_lowered:
.L_overlay_start_0:
0x88: {  	s2 =	sld [smem:$0x3FD9]  }
0x89: {  	s3 =	sld [smem:$0x3FFE];
	_ =	sdelay $0x1  }
0x8a: {  	s1 =	srdreg.scid  }
0x8b: {  	s0 =	sand.u32 $0x1, s1  }
0x8c: {  	s17 =	sshll.u32 s0, $0xA;
	s2 =	sadd.s32 s3, s2  }
0x8d: {  	s2 =	sadd.s32 s2, s17  }
0x8e: {  	[smem:$0x3FBF] =	sst s2  }
0x8f: {  	_ = 	snop  }
0x90: {  	s2 =	sld [smem:$0x3FD0];
	(tm) =	ssettm $0x1  }
0x91: {  	s18 =	sld [smem:$0x3FFB];
	_ =	sdelay $0x3  }
0x92: {  	_ =	strace s18  }
0x93: {  	s3 =	sld [smem:$0x3FFC];
	_ =	sdelay $0x3  }
0x94: {  	_ =	strace s3  }
0x95: {  	s3 =	sld [smem:$0x3FFD];
	_ =	sdelay $0x3  }
0x96: {  	_ =	strace s3  }
0x97: {  	_ =	strace $0x8FFFFFFF  }
0x98: {  	s19 =	sld [smem:$0x3FDB];
	_ =	sdelay $0x1  }
0x99: {  	s4 =	simm.s32 $_scs_section_size  }
0x9a: {  	s5 =	simm.s32 $_size__tile_overlayer_lowered;
	s6 =	simm.s32 $_tile_overlayer_lowered  }
0x9b: {  	s22 =	simm.s32 $0x1BFF;
	s21 =	sshll.u32 s6, $0x1;
	s3 =	sadd.s32 s4, s19  }
0x9c: {  	s7 =	simm.s32 $0x0;
	s20 =	sshll.u32 s5, $0x1;
	s5 =	sadd.s32 s21, s3  }
0x9d: {  	[timem:s7], [sflag:s22] =	dma.local [hbm:s5], s20  }
0x9e: {  	_ =	swait.ge [sflag:s22], s20  }
0x9f: {  	s4 =	ssub.s32 $0x0, s20;
	[sflag:s22] =	ssyncset.done $0x0  }
0xa0: {  	[sflag:s22] =	ssyncadd.s32 s4;
	_ =	sdelay $0x1  }
0xa1: {  	s23 =	simm.s32 $0x1B8B  }
0xa2: {  	_ =	swait.ge [sflag:s23], $0x1  }
0xa3: {  	[sflag:s23] =	ssyncset.done $0x0  }
0xa4: {  	s25 =	simm.s32 $0x1B8E;
	s24 =	sld [smem:$0x3FFE];
	[sflag:s23] =	ssyncadd.s32 $0xFFFFFFFF  }
0xa5: {  	s26 =	simm.s32 $execute0_lowered;
	[smem:$0x3FD2] =	sst s25  }
0xa6: {  	s5 =	sshll.u32 s26, $0x1;
	_ =	strace $0x80000046;
	[dreg:$0x1] =	wrdreg $0xFFFFFFFF  }
0xa7: {  	s28 =	simm.s32 $_size_execute0_lowered;
	s3 =	sadd.s32 s3, s5;
	[dreg:$0x0] =	wrdreg $0x0  }
0xa8: {  	s5 =	sshll.u32 s28, $0x1;
	[dreg:$0x2] =	wrdreg s3  }
0xa9: {  	[dreg:$0x3] =	wrdreg s5  }
0xaa: {  	[dreg:$0x4] =	wrdreg $0xC0  }
0xab: {  	_ =	task [dreg:s7], $0x5FFFF  }
0xac: {  	[dreg:$0x1] =	wrdreg $0xFFFFFFFF  }
0xad: {  	[dreg:$0x0] =	wrdreg $0x60  }
0xae: {  	[dreg:$0x2] =	wrdreg s24  }
0xaf: {  	[dreg:$0x3] =	wrdreg s2  }
0xb0: {  	[dreg:$0x4] =	wrdreg $0x11D000  }
0xb1: {  	[dreg:$0x5] =	wrdreg $0x9  }
0xb2: {  	_ =	task.clear_ibuf [dreg:s7], $0x6FFFF;
	_ =	strace $0x90000046  }
0xb3: {  	s29 =	simm.s32 $0x9;
	_ =	strace $0x80000048  }
0xb4: {  	_ =	swait.ge [sflag:s29], $0x1  }
0xb5: {  	[sflag:s29] =	ssyncadd.s32 $0xFFFFFFFF  }
0xb6: {  	_ =	strace $0x90000048  }
0xb7: {  	_ =	sfence  }
0xb8: {  	s30 =	sld [smem:$0x0];
	_ =	sdelay $0x2  }
0xb9: {  	s31 =	sshll.u32 s1, $0xD;
	s1 =	sshrl.u32 s1, $0x2  }
0xba: {  	s3 =	sand.u32 $0x4000, s31;
	s1 =	sadd.s32 s1, s30  }
0xbb: {  	s0 =	sor.u32 s3, s0;
	s1 =	sshll.u32 s1, $0x11  }
0xbc: {  	s0 =	sor.u32 s1, s0  }
0xbd: {  	s0 =	sadd.s32 $0x8F2B, s0  }
0xbe: {  	[sflag:s0] =	ssyncadd.remote.s32 $0x1  }
0xbf: {  	_ =	sfence.sel $0xFFFF  }
0xc0: {  	[dreg:$0x0] =	wrdreg $0xFFFFFFFF;
	(pc) =	sbr.abs _section_cstart, $3  }
0xc1: {  	[dreg:$0x1] =	wrdreg $0xFFFFFFFF  }
0xc2: {  	_ =	task.clear_ibuf [dreg:s7], $0x2FFFF;
	_ =	strace $0x9FFFFFFF  }
0xc3: {  	(tm) =	ssettm $0x7FFFFFFF  }
tec
execute0_lowered:
.L_overlay_start_1:
0x0: {  	(tag) =	ssettag $0x1  }
0x1: {  	s5 =	rddreg [dreg:$0x0]  }
0x2: {  	s6 =	rddreg [dreg:$0x1]  }
0x3: {  	s2 =	rddreg [dreg:$0x2];
	s4 =	srdreg.scid  }
0x4: {  	s1 =	stileid.u32;
	s3 =	simm.s32 $0x0;
	s12 =	simm.s32 $0x7D  }
0x5: {  	s13 =	simm.s32 $0xA000;
	s14 =	simm.s32 $0x80;
	s15 =	simm.s32 $0xBF40  }
0x6: {  	s16 =	simm.s32 $0x2800;
	s17 =	simm.s32 $0xDE80;
	s18 =	simm.s32 $0x2880  }
0x7: {  	s19 =	simm.s32 $0xFDC0;
	s20 =	simm.s32 $0x1;
	s21 =	simm.s32 $0x2  }
0x8: {  	s22 =	simm.s32 $0x3;
	s23 =	simm.s32 $0x4;
	s24 =	simm.s32 $0x7700  }
0x9: {  	s25 =	simm.s32 $0x7780;
	s28 =	simm.s32 $0x9F80;
	s29 =	simm.s32 $0x0  }
0xa: {  	s4 =	sand.u32 $0x1, s4;
	s7 =	smul.u32 $0xA000, s1;
	[smem:$0x7FF] =	sst s3  }
0xb: {  	s31 =	sshll.u32 s1, $0x6;
	s8 =	sshll.u32 s4, $0x4;
	s9 =	smul.u32 $0xA0000, s4  }
0xc: {  	_ =	strace $0x80000047;
	s10 =	ssub.s32 $0x2, s4;
	s4 =	sadd.s32 $0x29600, s5  }
0xd: {  	s8 =	sor.u32 s1, s8;
	s11 =	sshrl.u32 s10, $0x1;
	s26 =	sadd.s32 s7, s2  }
0xe: {  	s30 =	sshrl.u32 s7, $0x3;
	s8 =	smul.u32 $0x1400, s8;
	s9 =	sadd.s32 s7, s9  }
0xf: {  	s10 =	ssub.s32 s10, s11;
	s11 =	simm.s32 $0x5;
	s9 =	sshrl.u32 s9, $0x3  }
0x10: {  	s8 =	sadd.s32 s8, s5;
	s9 =	sadd.s32 s9, s5;
	s5 =	sadd.s32 s6, s30  }
0x11: {  	s6 =	sor.u32 $0x1C05, s31;
	s7 =	sadd.s32 $0x1600, s8;
	s8 =	sadd.s32 $0x189000, s9  }
0x12: {  	s9 =	smax.u32 s10, $0x1;
	s10 =	sshrl.u32 s26, $0x3;
	s26 =	simm.s32 $0x9F00  }
.LBB2_1:
0x13: {  	[spmem:s10], [sflag:s6] =	dma.local [hbm:s5], $0x1400  }
0x14: {  	_ =	swait.ge [sflag:s11], $0x1400  }
0x15: {  	[sflag:s11] =	ssyncset.done $0x0  }
0x16: {  	[sflag:s11] =	ssyncadd.s32 $0xFFFFEC00  }
0x17: {  	[tilespmem:s3], [sflag:$0x5] =	stream.linear.gather [hbm4b:s7+s3], $0xA000, $0x38;
	[tilespmem:$0x1BD00] =	vst v63  }
0x18: {  	_ =	swait.ge [sflag:s11], $0xA000  }
0x19: {  	[sflag:s11] =	ssyncset.done $0x0  }
0x1a: {  	[sflag:s11] =	ssyncadd.s32 $0xFFFF6000  }
0x1b: {  	[bflag:$0x0] =	sbarrier.arrive $0xFFFF  }
0x1c: {  	[tilespmem:s13], [sflag:$0x1] =	stream.indirect.gather [hbm4b:s4+s12], $0x40, s3, s12, $0xb8;
	[tilespmem:$0x1BD00] =	vst v63  }
0x1d: {  	_ = 	snop  }
0x1e: {  	[tilespmem:s15], [sflag:$0x2] =	stream.indirect.gather [hbm4b:s4+s12], $0x40, s14, s12, $0xb8;
	[tilespmem:$0x1BD00] =	vst v63  }
0x1f: {  	_ = 	snop  }
0x20: {  	[tilespmem:s17], [sflag:$0x3] =	stream.indirect.gather [hbm4b:s4+s12], $0x40, s16, s12, $0xb8;
	[tilespmem:$0x1BD00] =	vst v63  }
0x21: {  	_ = 	snop  }
0x22: {  	[tilespmem:s19], [sflag:$0x4] =	stream.indirect.gather [hbm4b:s4+s12], $0x40, s18, s12, $0xb8;
	[tilespmem:$0x1BD00] =	vst v63  }
0x23: {  	_ =	swait.ge [sflag:s20], $0x1F40  }
0x24: {  	[sflag:s20] =	ssyncset.done $0x0  }
0x25: {  	s30 =	simm.s32 $0x5000;
	[sflag:s20] =	ssyncadd.s32 $0xFFFFE0C0  }
0x26: {  	[spmem:s2] =	stream.indirect.scatter.add.f32 [tilespmem:s13], [sflag:$0x5], $0x40, s30, s12, $0xb8;
	[tilespmem:$0x1BD00] =	vst v63  }
0x27: {  	_ =	swait.ge [sflag:s11], $0x1F40  }
0x28: {  	[sflag:s11] =	ssyncset.done $0x0  }
0x29: {  	s30 =	simm.s32 $0x100;
	[sflag:s11] =	ssyncadd.s32 $0xFFFFE0C0  }
0x2a: {  	[tilespmem:s13], [sflag:$0x1] =	stream.indirect.gather [hbm4b:s4+s12], $0x40, s30, s12, $0xb8;
	[tilespmem:$0x1BD00] =	vst v63  }
0x2b: {  	_ =	swait.ge [sflag:s21], $0x1F40  }
0x2c: {  	[sflag:s21] =	ssyncset.done $0x0  }
0x2d: {  	s30 =	simm.s32 $0x5080;
	[sflag:s21] =	ssyncadd.s32 $0xFFFFE0C0  }
0x2e: {  	[spmem:s2] =	stream.indirect.scatter.add.f32 [tilespmem:s15], [sflag:$0x5], $0x40, s30, s12, $0xb8;
	[tilespmem:$0x1BD00] =	vst v63  }
0x2f: {  	_ =	swait.ge [sflag:s11], $0x1F40  }
0x30: {  	[sflag:s11] =	ssyncset.done $0x0  }
0x31: {  	s30 =	simm.s32 $0x180;
	[sflag:s11] =	ssyncadd.s32 $0xFFFFE0C0  }
0x32: {  	[tilespmem:s15], [sflag:$0x2] =	stream.indirect.gather [hbm4b:s4+s12], $0x40, s30, s12, $0xb8;
	[tilespmem:$0x1BD00] =	vst v63  }
0x33: {  	_ =	swait.ge [sflag:s22], $0x1F40  }
0x34: {  	[sflag:s22] =	ssyncset.done $0x0  }
0x35: {  	s30 =	simm.s32 $0x7800;
	[sflag:s22] =	ssyncadd.s32 $0xFFFFE0C0  }
0x36: {  	[spmem:s2] =	stream.indirect.scatter.add.f32 [tilespmem:s17], [sflag:$0x5], $0x40, s30, s12, $0xb8;
	[tilespmem:$0x1BD00] =	vst v63  }
0x37: {  	_ =	swait.ge [sflag:s11], $0x1F40  }
0x38: {  	[sflag:s11] =	ssyncset.done $0x0  }
0x39: {  	s30 =	simm.s32 $0x2900;
	[sflag:s11] =	ssyncadd.s32 $0xFFFFE0C0  }
0x3a: {  	[tilespmem:s17], [sflag:$0x3] =	stream.indirect.gather [hbm4b:s4+s12], $0x40, s30, s12, $0xb8;
	[tilespmem:$0x1BD00] =	vst v63  }
0x3b: {  	_ =	swait.ge [sflag:s23], $0x1F40  }
0x3c: {  	[sflag:s23] =	ssyncset.done $0x0  }
0x3d: {  	s30 =	simm.s32 $0x7880;
	[sflag:s23] =	ssyncadd.s32 $0xFFFFE0C0  }
0x3e: {  	[spmem:s2] =	stream.indirect.scatter.add.f32 [tilespmem:s19], [sflag:$0x5], $0x40, s30, s12, $0xb8;
	[tilespmem:$0x1BD00] =	vst v63  }
0x3f: {  	_ =	swait.ge [sflag:s11], $0x1F40  }
0x40: {  	[sflag:s11] =	ssyncset.done $0x0  }
0x41: {  	s31 =	simm.s32 $0x2980;
	s30 =	simm.s32 $0x400;
	[sflag:s11] =	ssyncadd.s32 $0xFFFFE0C0  }
.LBB2_2:
0x42: {  	[tilespmem:s19], [sflag:$0x4] =	stream.indirect.gather [hbm4b:s4+s12], $0x40, s31, s12, $0xb8;
	[tilespmem:$0x1BD00] =	vst v63  }
0x43: {  	s31 =	smov.u32 s30  }
0x44: {  	p0 =	sne.s32 s30, $0x9800;
	s30 =	sadd.s32 $0x400, s30;
	_ =	swait.ge [sflag:s20], $0x1F40  }
0x45: {  	s31 =	sshra.s32 s31, $0x2;
	[sflag:s20] =	ssyncset.done $0x0  }
0x46: {  	s0 =	sadd.s32 $0x5000, s31;
	[sflag:s20] =	ssyncadd.s32 $0xFFFFE0C0  }
0x47: {  	[spmem:s2] =	stream.indirect.scatter.add.f32 [tilespmem:s13], [sflag:$0x5], $0x40, s0, s12, $0xb8;
	[tilespmem:$0x1BD00] =	vst v63  }
0x48: {  	_ =	swait.ge [sflag:s11], $0x1F40  }
0x49: {  	[sflag:s11] =	ssyncset.done $0x0  }
0x4a: {  	s0 =	sadd.s32 $0x100, s31;
	[sflag:s11] =	ssyncadd.s32 $0xFFFFE0C0  }
0x4b: {  	[tilespmem:s13], [sflag:$0x1] =	stream.indirect.gather [hbm4b:s4+s12], $0x40, s0, s12, $0xb8;
	[tilespmem:$0x1BD00] =	vst v63  }
0x4c: {  	_ =	swait.ge [sflag:s21], $0x1F40  }
0x4d: {  	[sflag:s21] =	ssyncset.done $0x0  }
0x4e: {  	s0 =	sadd.s32 $0x5080, s31;
	[sflag:s21] =	ssyncadd.s32 $0xFFFFE0C0  }
0x4f: {  	[spmem:s2] =	stream.indirect.scatter.add.f32 [tilespmem:s15], [sflag:$0x5], $0x40, s0, s12, $0xb8;
	[tilespmem:$0x1BD00] =	vst v63  }
0x50: {  	_ =	swait.ge [sflag:s11], $0x1F40  }
0x51: {  	[sflag:s11] =	ssyncset.done $0x0  }
0x52: {  	s0 =	sadd.s32 $0x180, s31;
	[sflag:s11] =	ssyncadd.s32 $0xFFFFE0C0  }
0x53: {  	[tilespmem:s15], [sflag:$0x2] =	stream.indirect.gather [hbm4b:s4+s12], $0x40, s0, s12, $0xb8;
	[tilespmem:$0x1BD00] =	vst v63  }
0x54: {  	_ =	swait.ge [sflag:s22], $0x1F40  }
0x55: {  	[sflag:s22] =	ssyncset.done $0x0  }
0x56: {  	s0 =	sadd.s32 $0x7800, s31;
	[sflag:s22] =	ssyncadd.s32 $0xFFFFE0C0  }
0x57: {  	[spmem:s2] =	stream.indirect.scatter.add.f32 [tilespmem:s17], [sflag:$0x5], $0x40, s0, s12, $0xb8;
	[tilespmem:$0x1BD00] =	vst v63  }
0x58: {  	_ =	swait.ge [sflag:s11], $0x1F40  }
0x59: {  	[sflag:s11] =	ssyncset.done $0x0  }
0x5a: {  	s0 =	sadd.s32 $0x2900, s31;
	[sflag:s11] =	ssyncadd.s32 $0xFFFFE0C0  }
0x5b: {  	[tilespmem:s17], [sflag:$0x3] =	stream.indirect.gather [hbm4b:s4+s12], $0x40, s0, s12, $0xb8;
	[tilespmem:$0x1BD00] =	vst v63  }
0x5c: {  	_ =	swait.ge [sflag:s23], $0x1F40  }
0x5d: {  	[sflag:s23] =	ssyncset.done $0x0  }
.Ltmp0:
0x5e: {  	s0 =	sadd.s32 $0x7880, s31;
	[sflag:s23] =	ssyncadd.s32 $0xFFFFE0C0;
	(pc) =	sbr.rel @p0 .LBB2_2-.Ltmp0, $4  }
0x5f: {  	[spmem:s2] =	stream.indirect.scatter.add.f32 [tilespmem:s19], [sflag:$0x5], $0x40, s0, s12, $0xb8;
	[tilespmem:$0x1BD00] =	vst v63  }
0x60: {  	_ =	swait.ge [sflag:s11], $0x1F40  }
0x61: {  	[sflag:s11] =	ssyncset.done $0x0  }
0x62: {  	s31 =	sadd.s32 $0x2980, s31;
	[sflag:s11] =	ssyncadd.s32 $0xFFFFE0C0  }
0x63: {  	[tilespmem:s19], [sflag:$0x4] =	stream.indirect.gather [hbm4b:s4+s12], $0x40, s31, s12, $0xb8;
	[tilespmem:$0x1BD00] =	vst v63  }
0x64: {  	_ =	swait.ge [sflag:s20], $0x1F40  }
0x65: {  	[sflag:s20] =	ssyncset.done $0x0  }
0x66: {  	[sflag:s20] =	ssyncadd.s32 $0xFFFFE0C0  }
0x67: {  	[spmem:s2] =	stream.indirect.scatter.add.f32 [tilespmem:s13], [sflag:$0x5], $0x40, s24, s12, $0xb8;
	[tilespmem:$0x1BD00] =	vst v63  }
0x68: {  	_ =	swait.ge [sflag:s11], $0x1F40  }
0x69: {  	[sflag:s11] =	ssyncset.done $0x0  }
0x6a: {  	[sflag:s11] =	ssyncadd.s32 $0xFFFFE0C0  }
0x6b: {  	[tilespmem:s13], [sflag:$0x1] =	stream.indirect.gather [hbm4b:s4+s12], $0x40, s3, s12, $0xb8;
	[tilespmem:$0x1BD00] =	vst v63  }
0x6c: {  	_ =	swait.ge [sflag:s21], $0x1F40  }
0x6d: {  	[sflag:s21] =	ssyncset.done $0x0  }
0x6e: {  	[sflag:s21] =	ssyncadd.s32 $0xFFFFE0C0  }
0x6f: {  	[spmem:s2] =	stream.indirect.scatter.add.f32 [tilespmem:s15], [sflag:$0x5], $0x40, s25, s12, $0xb8;
	[tilespmem:$0x1BD00] =	vst v63  }
0x70: {  	_ =	swait.ge [sflag:s11], $0x1F40  }
0x71: {  	[sflag:s11] =	ssyncset.done $0x0  }
0x72: {  	[sflag:s11] =	ssyncadd.s32 $0xFFFFE0C0  }
0x73: {  	[tilespmem:s15], [sflag:$0x2] =	stream.indirect.gather [hbm4b:s4+s12], $0x40, s14, s12, $0xb8;
	[tilespmem:$0x1BD00] =	vst v63  }
0x74: {  	_ =	swait.ge [sflag:s22], $0x1F40  }
0x75: {  	[sflag:s22] =	ssyncset.done $0x0  }
0x76: {  	[sflag:s22] =	ssyncadd.s32 $0xFFFFE0C0  }
0x77: {  	[spmem:s2] =	stream.indirect.scatter.add.f32 [tilespmem:s17], [sflag:$0x5], $0x40, s26, s12, $0xb8;
	[tilespmem:$0x1BD00] =	vst v63  }
0x78: {  	_ =	swait.ge [sflag:s11], $0x1F40  }
0x79: {  	[sflag:s11] =	ssyncset.done $0x0  }
0x7a: {  	[sflag:s11] =	ssyncadd.s32 $0xFFFFE0C0  }
0x7b: {  	[tilespmem:s17], [sflag:$0x3] =	stream.indirect.gather [hbm4b:s4+s12], $0x40, s16, s12, $0xb8;
	[tilespmem:$0x1BD00] =	vst v63  }
0x7c: {  	_ =	swait.ge [sflag:s23], $0x1F40  }
0x7d: {  	[sflag:s23] =	ssyncset.done $0x0  }
0x7e: {  	[sflag:s23] =	ssyncadd.s32 $0xFFFFE0C0  }
0x7f: {  	[spmem:s2] =	stream.indirect.scatter.add.f32 [tilespmem:s19], [sflag:$0x5], $0x40, s28, s12, $0xb8;
	[tilespmem:$0x1BD00] =	vst v63  }
0x80: {  	_ =	swait.ge [sflag:s11], $0x1F40  }
0x81: {  	[sflag:s11] =	ssyncset.done $0x0  }
0x82: {  	[sflag:s11] =	ssyncadd.s32 $0xFFFFE0C0  }
0x83: {  	[tilespmem:s19], [sflag:$0x4] =	stream.indirect.gather [hbm4b:s4+s12], $0x40, s18, s12, $0xb8;
	[tilespmem:$0x1BD00] =	vst v63  }
0x84: {  	_ =	swait.ge [sflag:s20], $0x1F40  }
0x85: {  	[sflag:s20] =	ssyncset.done $0x0  }
0x86: {  	[sflag:s20] =	ssyncadd.s32 $0xFFFFE0C0  }
0x87: {  	_ =	swait.ge [sflag:s21], $0x1F40  }
0x88: {  	[sflag:s21] =	ssyncset.done $0x0  }
0x89: {  	[sflag:s21] =	ssyncadd.s32 $0xFFFFE0C0  }
0x8a: {  	_ =	swait.ge [sflag:s22], $0x1F40  }
0x8b: {  	[sflag:s22] =	ssyncset.done $0x0  }
0x8c: {  	[sflag:s22] =	ssyncadd.s32 $0xFFFFE0C0  }
0x8d: {  	_ =	swait.ge [sflag:s23], $0x1F40  }
0x8e: {  	s29 =	sadd.s32 $0x1, s29;
	[sflag:s23] =	ssyncset.done $0x0  }
0x8f: {  	p0 =	sne.s32 s29, s9;
	[sflag:s23] =	ssyncadd.s32 $0xFFFFE0C0  }
.Ltmp1:
0x90: {  	[bflag:$0x0] =	sbarrier.arrive $0xFFFF;
	(pc) =	sbr.rel @p0 .LBB2_1-.Ltmp1, $4  }
0x91: {  	[hbm:s8], [sflag:s6] =	dma.local [spmem:s10], $0x1400  }
0x92: {  	_ =	swait.ge [sflag:s11], $0x1400  }
0x93: {  	[sflag:s11] =	ssyncset.done $0x0  }
0x94: {  	[sflag:s11] =	ssyncadd.s32 $0xFFFFEC00  }
0x95: {  	_ =	sfence.sel $0x180000  }
0x96: {  	[bflag:$0x0] =	sbarrier.arrive $0xFFFF  }
0x97: {  	_ =	strace $0x90000047  }
0x98: {  	[bflag:$0x2] =	sbarrier.arrive $0xFFFF  }
0x99: {  	p0 =	sne.s32 s1, $0x0;
	s0 =	rddreg [dreg:$0x3]  }
0x9a: {  	s0 =	sadd.s32 @!p0 $0x100000, s0  }
0x9b: {  	[sflag:s0] =	ssyncadd.tile.s32 @!p0 $0x1;
	_ =	shalt  }
.Lfunc_end2:
_tile_overlayer_lowered:
.L_overlay_start_2:
0x9c: {  	(tag) =	ssettag $0x2  }
0x9d: {  	s0 =	rddreg [dreg:$0x0];
	s2 =	stileid.u32  }
0x9e: {  	s1 =	rddreg [dreg:$0x1];
	p0 =	sne.s32 s2, $0x0  }
0x9f: {  	s3 =	rddreg [dreg:$0x2];
	[bflag:$0x3] =	sbarrier.arrive $0xFFFF;
	s2 =	simm.s32 @!p0 $0x1C05  }
0xa0: {  	[timem:s3], [sflag:s2] =	dma.local @!p0 [hbm:s0], s1  }
0xa1: {  	s0 =	simm.s32 @!p0 $0x5  }
0xa2: {  	_ =	swait.ge @!p0 [sflag:s0], s1  }
0xa3: {  	s1 =	ssub.s32 @!p0 $0x0, s1;
	[sflag:s0] =	ssyncset.done @!p0 $0x0  }
0xa4: {  	[sflag:s0] =	ssyncadd.s32 @!p0 s1  }
0xa5: {  	[bflag:$0x3] =	sbarrier.arrive $0xFFFF  }
0xa6: {  	_ =	shalt  }

</sc_bundles>
